<compile_context>
chip_gen: v7x
topology: tpu7x:2x2x1
jax: 0.10.2.dev20260603
libtpu: 0.0.44.dev20260713+nightly
codegen_flags: <defaults>
</compile_context>

<pallas_src>
import functools

import jax
import jax.numpy as jnp
import numpy as np
from jax import lax
from jax.experimental import pallas as pl
from jax.experimental.pallas import tpu as pltpu
from jax.experimental.pallas import tpu_sc as plsc

N_CENTERS = 10000
CAP = 100
FDIM = 64
BATCH_N = 16384


C_BLK = 128


def _means_body(count_ref, bankt_ref, out_ref):
    cnt = count_ref[...]
    recip = 1.0 / jnp.maximum(cnt.astype(jnp.float32), 1.0)
    pos = lax.broadcasted_iota(jnp.int32, (CAP, 1, C_BLK), 0)
    w = jnp.where(pos < cnt[None], recip[None], 0.0)
    out_ref[...] = jnp.sum(bankt_ref[...] * w, axis=0)


def _compute_means_t(bank, count):
    bank_t = jnp.transpose(bank, (1, 2, 0))
    return pl.pallas_call(
        _means_body,
        grid=(pl.cdiv(N_CENTERS, C_BLK),),
        in_specs=[
            pl.BlockSpec((1, C_BLK), lambda i: (0, i)),
            pl.BlockSpec((CAP, FDIM, C_BLK), lambda i: (0, 0, i)),
        ],
        out_specs=pl.BlockSpec((FDIM, C_BLK), lambda i: (0, i)),
        out_shape=jax.ShapeDtypeStruct((FDIM, N_CENTERS), jnp.float32),
    )(count.reshape(1, N_CENTERS), bank_t)



_NC = 2
_NS = 16
_NW = _NC * _NS
_BPW = BATCH_N // _NW
_CHUNK = 128
_NCH = _BPW // _CHUNK

@functools.cache
def _build_gather_rows():
    mesh = plsc.VectorSubcoreMesh(core_axis_name="c", subcore_axis_name="s")
    return functools.partial(
        pl.kernel,
        mesh=mesh,
        out_type=jax.ShapeDtypeStruct((BATCH_N, FDIM), jnp.float32),
        scratch_types=[
            pltpu.VMEM((_NCH, _CHUNK), jnp.int32),
            pltpu.VMEM((_NCH, _CHUNK), jnp.int32),
            pltpu.VMEM((_NCH, _CHUNK), jnp.int32),
            pltpu.VMEM((_BPW, FDIM), jnp.float32),
            pltpu.SemaphoreType.DMA,
        ],
        compiler_params=pltpu.CompilerParams(use_tc_tiling_on_sc=False),
    )(_gather_rows_body)


def _gather_rows_body(table_hbm, ids_hbm, count_hbm, out_hbm,
                      ids_v, cntg_v, idx_v, rows_v, sem):
    wid = lax.axis_index("s") * _NC + lax.axis_index("c")
    base = wid * _BPW
    for r in range(_NCH):
        pltpu.sync_copy(ids_hbm.at[pl.ds(base + r * _CHUNK, _CHUNK)],
                        ids_v.at[r])
    cnt_copies = [
        pltpu.async_copy(count_hbm.at[ids_v.at[r]], cntg_v.at[r], sem)
        for r in range(_NCH)
    ]
    for cp in cnt_copies:
        cp.wait()

    for r in range(_NCH):
        def body(j, _, r=r):
            sl = pl.ds(j * 16, 16)
            ids16 = ids_v[r, sl]
            cnt16 = cntg_v[r, sl]
            g = base + r * _CHUNK + j * 16 + lax.iota(jnp.int32, 16)
            idx_v[r, sl] = jnp.where(cnt16 > 0, ids16, N_CENTERS + g)
            return 0
        lax.fori_loop(0, _CHUNK // 16, body, 0)

    row_copies = [
        pltpu.async_copy(table_hbm.at[idx_v.at[r]],
                         rows_v.at[pl.ds(r * _CHUNK, _CHUNK)], sem)
        for r in range(_NCH)
    ]
    for cp in row_copies:
        cp.wait()

    pltpu.sync_copy(rows_v, out_hbm.at[pl.ds(base, _BPW)])


@jax.jit
def _impl(target_center_ids, bank, count):
    means_t = _compute_means_t(bank, count)
    fallback = jax.random.normal(
        jax.random.key(1), (BATCH_N, FDIM), dtype=jnp.float32)
    table = jnp.concatenate([means_t.T, fallback], axis=0)
    return _build_gather_rows()(table, target_center_ids, count)


def kernel(target_center_ids, bank, count):
    return _impl(target_center_ids, bank, count)

# --- scband reference (transcript-rebuilt; emitter-appended) ---
"""Pipeline reference for scband-noise-memory-bank-32512902431375 (READ-ONLY COPY).

The authoritative reference and input builder live on the scoring server;
editing this copy changes nothing except your own understanding.
"""

import jax, jax.numpy as jnp
import numpy as np

NUM_CENTERS = 10000
CAPACITY = 100
FEAT_DIM = 64
BATCH = 16384


def setup_inputs(seed: int = 0) -> dict:
    key = jax.random.key(seed)
    k1, k2, k3 = jax.random.split(key, 3)
    target_center_ids = jax.random.randint(k1, (BATCH,), 0, NUM_CENTERS, dtype=jnp.int32)
    # buffers of the module, materialized as inputs
    bank = jax.random.normal(k2, (NUM_CENTERS, CAPACITY, FEAT_DIM), dtype=jnp.float32)
    count = jax.random.randint(k3, (NUM_CENTERS,), 0, CAPACITY, dtype=jnp.int32)
    return {"target_center_ids": target_center_ids, "bank": bank, "count": count}


def reference(target_center_ids, bank, count):
    # Faithful vectorized translation of get_counterfactual_noise(strategy='mean'):
    #   for each sample i with center c = target_center_ids[i]:
    #     if count[c] == 0: out[i] = randn(feat_dim)
    #     else:             out[i] = bank[c, :count[c]].mean(dim=0)
    B = target_center_ids.shape[0]
    capacity = bank.shape[1]
    feat_dim = bank.shape[2]
    cnt = jnp.take(count, target_center_ids, axis=0)              # [B]
    rows = jnp.take(bank, target_center_ids, axis=0)              # [B, capacity, feat_dim] gather
    mask = (jnp.arange(capacity)[None, :] < cnt[:, None]).astype(bank.dtype)  # [B, capacity]
    sums = jnp.sum(rows * mask[:, :, None], axis=1)               # [B, feat_dim]
    denom = jnp.maximum(cnt, 1).astype(bank.dtype)[:, None]
    means = sums / denom
    fallback = jax.random.normal(jax.random.key(1), (B, feat_dim), dtype=bank.dtype)
    out = jnp.where((cnt > 0)[:, None], means, fallback)
    return out

if __name__ == "__main__":
    import jax
    _d = setup_inputs()
    print(jax.jit(kernel)(*tuple(_d.values())))

</pallas_src>

<mosaic_0001>
#map = affine_map<(d0, d1) -> (0, 0)>
#map1 = affine_map<(d0, d1) -> (0)>
module attributes {stable_mosaic.version = 14 : i64} {
  func.func @_gather_rows_body(%arg0: i32, %arg1: i32, %arg2: memref<26384x64xf32, #tpu.memory_space<hbm>>, %arg3: memref<16384xi32, #tpu.memory_space<hbm>>, %arg4: memref<10000xi32, #tpu.memory_space<hbm>>, %arg5: memref<16384x64xf32, #tpu.memory_space<hbm>>, %arg6: memref<4x128xi32, #tpu.memory_space<vmem>>, %arg7: memref<4x128xi32, #tpu.memory_space<vmem>>, %arg8: memref<4x128xi32, #tpu.memory_space<vmem>>, %arg9: memref<512x64xf32, #tpu.memory_space<vmem>>, %arg10: memref<!tpu.dma_semaphore, #tpu.memory_space<semaphore_mem>>) attributes {dimension_semantics = [#tpu.dimension_semantics<core_parallel>, #tpu.dimension_semantics<subcore_parallel>], iteration_bounds = array<i64: 2, 16>, scalar_prefetch = 0 : i64, scratch_operands = 5 : i64, tpu.core_type = #tpu.core_type<sc_vector_subcore>, window_params = [{transform_indices = #map}, {transform_indices = #map1}, {transform_indices = #map1}, {transform_indices = #map}]} {
    %mul3A = arith.constant 2 : i32
    %mul3A_0 = arith.muli %arg1, %mul3A : i32
    %add3A = arith.addi %mul3A_0, %arg0 : i32
    %mul3A_1 = arith.constant 512 : i32
    %mul3A_2 = arith.muli %add3A, %mul3A_1 : i32
    %add3A_3 = arith.constant 0 : i32
    %add3A_4 = arith.addi %mul3A_2, %add3A_3 : i32
    %run_scoped3A = arith.constant 0 : i32
    "tpu.region"() ({
      %run_scoped3A_199 = tpu.sem_alloc : memref<!tpu.dma_semaphore, #tpu.memory_space<semaphore_mem>>
      %dma_start3A_200 = arith.constant 0 : i32
      %dma_start3A_201 = tpu.memref_slice %arg6[%run_scoped3A, %dma_start3A_200] : memref<4x128xi32, #tpu.memory_space<vmem>> -> memref<1x128xi32, #tpu.memory_space<vmem>>
      %dma_start3A_202 = tpu.memref_squeeze %dma_start3A_201 : memref<1x128xi32, #tpu.memory_space<vmem>> -> memref<128xi32, #tpu.memory_space<vmem>>
      %dma_start3A_203 = tpu.memref_slice %arg3[%add3A_4] : memref<16384xi32, #tpu.memory_space<hbm>> -> memref<128xi32, #tpu.memory_space<hbm>>
      %dma_start3A_204 = arith.constant 0 : i32
      %dma_start3A_205 = tpu.memref_slice %arg6[%run_scoped3A, %dma_start3A_204] : memref<4x128xi32, #tpu.memory_space<vmem>> -> memref<1x128xi32, #tpu.memory_space<vmem>>
      %dma_start3A_206 = tpu.memref_squeeze %dma_start3A_205 : memref<1x128xi32, #tpu.memory_space<vmem>> -> memref<128xi32, #tpu.memory_space<vmem>>
      %dma_start3A_207 = tpu.memref_slice %arg3[%add3A_4] : memref<16384xi32, #tpu.memory_space<hbm>> -> memref<128xi32, #tpu.memory_space<hbm>>
      tpu.enqueue_dma source(%dma_start3A_207 : memref<128xi32, #tpu.memory_space<hbm>>) target(%dma_start3A_206 : memref<128xi32, #tpu.memory_space<vmem>>) target_semaphore(%run_scoped3A_199 : memref<!tpu.dma_semaphore, #tpu.memory_space<semaphore_mem>>)
      %dma_wait3A_208 = arith.constant 0 : i32
      %dma_wait3A_209 = tpu.memref_slice %arg6[%run_scoped3A, %dma_wait3A_208] : memref<4x128xi32, #tpu.memory_space<vmem>> -> memref<1x128xi32, #tpu.memory_space<vmem>>
      %dma_wait3A_210 = tpu.memref_squeeze %dma_wait3A_209 : memref<1x128xi32, #tpu.memory_space<vmem>> -> memref<128xi32, #tpu.memory_space<vmem>>
      %dma_wait3A_211 = tpu.memref_slice %arg3[%add3A_4] : memref<16384xi32, #tpu.memory_space<hbm>> -> memref<128xi32, #tpu.memory_space<hbm>>
      %dma_wait3A_212 = arith.constant 0 : i32
      %dma_wait3A_213 = tpu.memref_slice %arg6[%run_scoped3A, %dma_wait3A_212] : memref<4x128xi32, #tpu.memory_space<vmem>> -> memref<1x128xi32, #tpu.memory_space<vmem>>
      %dma_wait3A_214 = tpu.memref_squeeze %dma_wait3A_213 : memref<1x128xi32, #tpu.memory_space<vmem>> -> memref<128xi32, #tpu.memory_space<vmem>>
      %dma_wait3A_215 = tpu.memref_slice %arg3[%add3A_4] : memref<16384xi32, #tpu.memory_space<hbm>> -> memref<128xi32, #tpu.memory_space<hbm>>
      tpu.wait_dma2 semaphore(%run_scoped3A_199 : memref<!tpu.dma_semaphore, #tpu.memory_space<semaphore_mem>>) src(%dma_wait3A_215 : memref<128xi32, #tpu.memory_space<hbm>>) dst(%dma_wait3A_214 : memref<128xi32, #tpu.memory_space<vmem>>)
      tpu.yield
    }) : () -> ()
    %add3A_5 = arith.constant 128 : i32
    %add3A_6 = arith.addi %mul3A_2, %add3A_5 : i32
    %run_scoped3A_7 = arith.constant 1 : i32
    "tpu.region"() ({
      %run_scoped3A_199 = tpu.sem_alloc : memref<!tpu.dma_semaphore, #tpu.memory_space<semaphore_mem>>
      %dma_start3A_200 = arith.constant 0 : i32
      %dma_start3A_201 = tpu.memref_slice %arg6[%run_scoped3A_7, %dma_start3A_200] : memref<4x128xi32, #tpu.memory_space<vmem>> -> memref<1x128xi32, #tpu.memory_space<vmem>>
      %dma_start3A_202 = tpu.memref_squeeze %dma_start3A_201 : memref<1x128xi32, #tpu.memory_space<vmem>> -> memref<128xi32, #tpu.memory_space<vmem>>
      %dma_start3A_203 = tpu.memref_slice %arg3[%add3A_6] : memref<16384xi32, #tpu.memory_space<hbm>> -> memref<128xi32, #tpu.memory_space<hbm>>
      %dma_start3A_204 = arith.constant 0 : i32
      %dma_start3A_205 = tpu.memref_slice %arg6[%run_scoped3A_7, %dma_start3A_204] : memref<4x128xi32, #tpu.memory_space<vmem>> -> memref<1x128xi32, #tpu.memory_space<vmem>>
      %dma_start3A_206 = tpu.memref_squeeze %dma_start3A_205 : memref<1x128xi32, #tpu.memory_space<vmem>> -> memref<128xi32, #tpu.memory_space<vmem>>
      %dma_start3A_207 = tpu.memref_slice %arg3[%add3A_6] : memref<16384xi32, #tpu.memory_space<hbm>> -> memref<128xi32, #tpu.memory_space<hbm>>
      tpu.enqueue_dma source(%dma_start3A_207 : memref<128xi32, #tpu.memory_space<hbm>>) target(%dma_start3A_206 : memref<128xi32, #tpu.memory_space<vmem>>) target_semaphore(%run_scoped3A_199 : memref<!tpu.dma_semaphore, #tpu.memory_space<semaphore_mem>>)
      %dma_wait3A_208 = arith.constant 0 : i32
      %dma_wait3A_209 = tpu.memref_slice %arg6[%run_scoped3A_7, %dma_wait3A_208] : memref<4x128xi32, #tpu.memory_space<vmem>> -> memref<1x128xi32, #tpu.memory_space<vmem>>
      %dma_wait3A_210 = tpu.memref_squeeze %dma_wait3A_209 : memref<1x128xi32, #tpu.memory_space<vmem>> -> memref<128xi32, #tpu.memory_space<vmem>>
      %dma_wait3A_211 = tpu.memref_slice %arg3[%add3A_6] : memref<16384xi32, #tpu.memory_space<hbm>> -> memref<128xi32, #tpu.memory_space<hbm>>
      %dma_wait3A_212 = arith.constant 0 : i32
      %dma_wait3A_213 = tpu.memref_slice %arg6[%run_scoped3A_7, %dma_wait3A_212] : memref<4x128xi32, #tpu.memory_space<vmem>> -> memref<1x128xi32, #tpu.memory_space<vmem>>
      %dma_wait3A_214 = tpu.memref_squeeze %dma_wait3A_213 : memref<1x128xi32, #tpu.memory_space<vmem>> -> memref<128xi32, #tpu.memory_space<vmem>>
      %dma_wait3A_215 = tpu.memref_slice %arg3[%add3A_6] : memref<16384xi32, #tpu.memory_space<hbm>> -> memref<128xi32, #tpu.memory_space<hbm>>
      tpu.wait_dma2 semaphore(%run_scoped3A_199 : memref<!tpu.dma_semaphore, #tpu.memory_space<semaphore_mem>>) src(%dma_wait3A_215 : memref<128xi32, #tpu.memory_space<hbm>>) dst(%dma_wait3A_214 : memref<128xi32, #tpu.memory_space<vmem>>)
      tpu.yield
    }) : () -> ()
    %add3A_8 = arith.constant 256 : i32
    %add3A_9 = arith.addi %mul3A_2, %add3A_8 : i32
    %run_scoped3A_10 = arith.constant 2 : i32
    "tpu.region"() ({
      %run_scoped3A_199 = tpu.sem_alloc : memref<!tpu.dma_semaphore, #tpu.memory_space<semaphore_mem>>
      %dma_start3A_200 = arith.constant 0 : i32
      %dma_start3A_201 = tpu.memref_slice %arg6[%run_scoped3A_10, %dma_start3A_200] : memref<4x128xi32, #tpu.memory_space<vmem>> -> memref<1x128xi32, #tpu.memory_space<vmem>>
      %dma_start3A_202 = tpu.memref_squeeze %dma_start3A_201 : memref<1x128xi32, #tpu.memory_space<vmem>> -> memref<128xi32, #tpu.memory_space<vmem>>
      %dma_start3A_203 = tpu.memref_slice %arg3[%add3A_9] : memref<16384xi32, #tpu.memory_space<hbm>> -> memref<128xi32, #tpu.memory_space<hbm>>
      %dma_start3A_204 = arith.constant 0 : i32
      %dma_start3A_205 = tpu.memref_slice %arg6[%run_scoped3A_10, %dma_start3A_204] : memref<4x128xi32, #tpu.memory_space<vmem>> -> memref<1x128xi32, #tpu.memory_space<vmem>>
      %dma_start3A_206 = tpu.memref_squeeze %dma_start3A_205 : memref<1x128xi32, #tpu.memory_space<vmem>> -> memref<128xi32, #tpu.memory_space<vmem>>
      %dma_start3A_207 = tpu.memref_slice %arg3[%add3A_9] : memref<16384xi32, #tpu.memory_space<hbm>> -> memref<128xi32, #tpu.memory_space<hbm>>
      tpu.enqueue_dma source(%dma_start3A_207 : memref<128xi32, #tpu.memory_space<hbm>>) target(%dma_start3A_206 : memref<128xi32, #tpu.memory_space<vmem>>) target_semaphore(%run_scoped3A_199 : memref<!tpu.dma_semaphore, #tpu.memory_space<semaphore_mem>>)
      %dma_wait3A_208 = arith.constant 0 : i32
      %dma_wait3A_209 = tpu.memref_slice %arg6[%run_scoped3A_10, %dma_wait3A_208] : memref<4x128xi32, #tpu.memory_space<vmem>> -> memref<1x128xi32, #tpu.memory_space<vmem>>
      %dma_wait3A_210 = tpu.memref_squeeze %dma_wait3A_209 : memref<1x128xi32, #tpu.memory_space<vmem>> -> memref<128xi32, #tpu.memory_space<vmem>>
      %dma_wait3A_211 = tpu.memref_slice %arg3[%add3A_9] : memref<16384xi32, #tpu.memory_space<hbm>> -> memref<128xi32, #tpu.memory_space<hbm>>
      %dma_wait3A_212 = arith.constant 0 : i32
      %dma_wait3A_213 = tpu.memref_slice %arg6[%run_scoped3A_10, %dma_wait3A_212] : memref<4x128xi32, #tpu.memory_space<vmem>> -> memref<1x128xi32, #tpu.memory_space<vmem>>
      %dma_wait3A_214 = tpu.memref_squeeze %dma_wait3A_213 : memref<1x128xi32, #tpu.memory_space<vmem>> -> memref<128xi32, #tpu.memory_space<vmem>>
      %dma_wait3A_215 = tpu.memref_slice %arg3[%add3A_9] : memref<16384xi32, #tpu.memory_space<hbm>> -> memref<128xi32, #tpu.memory_space<hbm>>
      tpu.wait_dma2 semaphore(%run_scoped3A_199 : memref<!tpu.dma_semaphore, #tpu.memory_space<semaphore_mem>>) src(%dma_wait3A_215 : memref<128xi32, #tpu.memory_space<hbm>>) dst(%dma_wait3A_214 : memref<128xi32, #tpu.memory_space<vmem>>)
      tpu.yield
    }) : () -> ()
    %add3A_11 = arith.constant 384 : i32
    %add3A_12 = arith.addi %mul3A_2, %add3A_11 : i32
    %run_scoped3A_13 = arith.constant 3 : i32
    "tpu.region"() ({
      %run_scoped3A_199 = tpu.sem_alloc : memref<!tpu.dma_semaphore, #tpu.memory_space<semaphore_mem>>
      %dma_start3A_200 = arith.constant 0 : i32
      %dma_start3A_201 = tpu.memref_slice %arg6[%run_scoped3A_13, %dma_start3A_200] : memref<4x128xi32, #tpu.memory_space<vmem>> -> memref<1x128xi32, #tpu.memory_space<vmem>>
      %dma_start3A_202 = tpu.memref_squeeze %dma_start3A_201 : memref<1x128xi32, #tpu.memory_space<vmem>> -> memref<128xi32, #tpu.memory_space<vmem>>
      %dma_start3A_203 = tpu.memref_slice %arg3[%add3A_12] : memref<16384xi32, #tpu.memory_space<hbm>> -> memref<128xi32, #tpu.memory_space<hbm>>
      %dma_start3A_204 = arith.constant 0 : i32
      %dma_start3A_205 = tpu.memref_slice %arg6[%run_scoped3A_13, %dma_start3A_204] : memref<4x128xi32, #tpu.memory_space<vmem>> -> memref<1x128xi32, #tpu.memory_space<vmem>>
      %dma_start3A_206 = tpu.memref_squeeze %dma_start3A_205 : memref<1x128xi32, #tpu.memory_space<vmem>> -> memref<128xi32, #tpu.memory_space<vmem>>
      %dma_start3A_207 = tpu.memref_slice %arg3[%add3A_12] : memref<16384xi32, #tpu.memory_space<hbm>> -> memref<128xi32, #tpu.memory_space<hbm>>
      tpu.enqueue_dma source(%dma_start3A_207 : memref<128xi32, #tpu.memory_space<hbm>>) target(%dma_start3A_206 : memref<128xi32, #tpu.memory_space<vmem>>) target_semaphore(%run_scoped3A_199 : memref<!tpu.dma_semaphore, #tpu.memory_space<semaphore_mem>>)
      %dma_wait3A_208 = arith.constant 0 : i32
      %dma_wait3A_209 = tpu.memref_slice %arg6[%run_scoped3A_13, %dma_wait3A_208] : memref<4x128xi32, #tpu.memory_space<vmem>> -> memref<1x128xi32, #tpu.memory_space<vmem>>
      %dma_wait3A_210 = tpu.memref_squeeze %dma_wait3A_209 : memref<1x128xi32, #tpu.memory_space<vmem>> -> memref<128xi32, #tpu.memory_space<vmem>>
      %dma_wait3A_211 = tpu.memref_slice %arg3[%add3A_12] : memref<16384xi32, #tpu.memory_space<hbm>> -> memref<128xi32, #tpu.memory_space<hbm>>
      %dma_wait3A_212 = arith.constant 0 : i32
      %dma_wait3A_213 = tpu.memref_slice %arg6[%run_scoped3A_13, %dma_wait3A_212] : memref<4x128xi32, #tpu.memory_space<vmem>> -> memref<1x128xi32, #tpu.memory_space<vmem>>
      %dma_wait3A_214 = tpu.memref_squeeze %dma_wait3A_213 : memref<1x128xi32, #tpu.memory_space<vmem>> -> memref<128xi32, #tpu.memory_space<vmem>>
      %dma_wait3A_215 = tpu.memref_slice %arg3[%add3A_12] : memref<16384xi32, #tpu.memory_space<hbm>> -> memref<128xi32, #tpu.memory_space<hbm>>
      tpu.wait_dma2 semaphore(%run_scoped3A_199 : memref<!tpu.dma_semaphore, #tpu.memory_space<semaphore_mem>>) src(%dma_wait3A_215 : memref<128xi32, #tpu.memory_space<hbm>>) dst(%dma_wait3A_214 : memref<128xi32, #tpu.memory_space<vmem>>)
      tpu.yield
    }) : () -> ()
    %dma_start3A = arith.constant 0 : i32
    %dma_start3A_14 = arith.constant 0 : i32
    %dma_start3A_15 = arith.constant 0 : i32
    %dma_start3A_16 = tpu.memref_slice %arg7[%dma_start3A_14, %dma_start3A_15] : memref<4x128xi32, #tpu.memory_space<vmem>> -> memref<1x128xi32, #tpu.memory_space<vmem>>
    %dma_start3A_17 = tpu.memref_squeeze %dma_start3A_16 : memref<1x128xi32, #tpu.memory_space<vmem>> -> memref<128xi32, #tpu.memory_space<vmem>>
    %dma_start3A_18 = arith.constant 0 : i32
    %dma_start3A_19 = tpu.memref_slice %arg6[%dma_start3A, %dma_start3A_18] : memref<4x128xi32, #tpu.memory_space<vmem>> -> memref<1x128xi32, #tpu.memory_space<vmem>>
    %dma_start3A_20 = tpu.memref_squeeze %dma_start3A_19 : memref<1x128xi32, #tpu.memory_space<vmem>> -> memref<128xi32, #tpu.memory_space<vmem>>
    %dma_start3A_21 = arith.constant 0 : i32
    %dma_start3A_22 = tpu.memref_slice %arg4[%dma_start3A_21] : memref<10000xi32, #tpu.memory_space<hbm>> -> memref<10000xi32, #tpu.memory_space<hbm>>
    tpu.enqueue_indirect_dma source(%dma_start3A_22 : memref<10000xi32, #tpu.memory_space<hbm>>) target(%dma_start3A_17 : memref<128xi32, #tpu.memory_space<vmem>>) offsets(%dma_start3A_20 : memref<128xi32, #tpu.memory_space<vmem>>) semaphore(%arg10 : memref<!tpu.dma_semaphore, #tpu.memory_space<semaphore_mem>>)
    %dma_start3A_23 = arith.constant 1 : i32
    %dma_start3A_24 = arith.constant 1 : i32
    %dma_start3A_25 = arith.constant 0 : i32
    %dma_start3A_26 = tpu.memref_slice %arg7[%dma_start3A_24, %dma_start3A_25] : memref<4x128xi32, #tpu.memory_space<vmem>> -> memref<1x128xi32, #tpu.memory_space<vmem>>
    %dma_start3A_27 = tpu.memref_squeeze %dma_start3A_26 : memref<1x128xi32, #tpu.memory_space<vmem>> -> memref<128xi32, #tpu.memory_space<vmem>>
    %dma_start3A_28 = arith.constant 0 : i32
    %dma_start3A_29 = tpu.memref_slice %arg6[%dma_start3A_23, %dma_start3A_28] : memref<4x128xi32, #tpu.memory_space<vmem>> -> memref<1x128xi32, #tpu.memory_space<vmem>>
    %dma_start3A_30 = tpu.memref_squeeze %dma_start3A_29 : memref<1x128xi32, #tpu.memory_space<vmem>> -> memref<128xi32, #tpu.memory_space<vmem>>
    %dma_start3A_31 = arith.constant 0 : i32
    %dma_start3A_32 = tpu.memref_slice %arg4[%dma_start3A_31] : memref<10000xi32, #tpu.memory_space<hbm>> -> memref<10000xi32, #tpu.memory_space<hbm>>
    tpu.enqueue_indirect_dma source(%dma_start3A_32 : memref<10000xi32, #tpu.memory_space<hbm>>) target(%dma_start3A_27 : memref<128xi32, #tpu.memory_space<vmem>>) offsets(%dma_start3A_30 : memref<128xi32, #tpu.memory_space<vmem>>) semaphore(%arg10 : memref<!tpu.dma_semaphore, #tpu.memory_space<semaphore_mem>>)
    %dma_start3A_33 = arith.constant 2 : i32
    %dma_start3A_34 = arith.constant 2 : i32
    %dma_start3A_35 = arith.constant 0 : i32
    %dma_start3A_36 = tpu.memref_slice %arg7[%dma_start3A_34, %dma_start3A_35] : memref<4x128xi32, #tpu.memory_space<vmem>> -> memref<1x128xi32, #tpu.memory_space<vmem>>
    %dma_start3A_37 = tpu.memref_squeeze %dma_start3A_36 : memref<1x128xi32, #tpu.memory_space<vmem>> -> memref<128xi32, #tpu.memory_space<vmem>>
    %dma_start3A_38 = arith.constant 0 : i32
    %dma_start3A_39 = tpu.memref_slice %arg6[%dma_start3A_33, %dma_start3A_38] : memref<4x128xi32, #tpu.memory_space<vmem>> -> memref<1x128xi32, #tpu.memory_space<vmem>>
    %dma_start3A_40 = tpu.memref_squeeze %dma_start3A_39 : memref<1x128xi32, #tpu.memory_space<vmem>> -> memref<128xi32, #tpu.memory_space<vmem>>
    %dma_start3A_41 = arith.constant 0 : i32
    %dma_start3A_42 = tpu.memref_slice %arg4[%dma_start3A_41] : memref<10000xi32, #tpu.memory_space<hbm>> -> memref<10000xi32, #tpu.memory_space<hbm>>
    tpu.enqueue_indirect_dma source(%dma_start3A_42 : memref<10000xi32, #tpu.memory_space<hbm>>) target(%dma_start3A_37 : memref<128xi32, #tpu.memory_space<vmem>>) offsets(%dma_start3A_40 : memref<128xi32, #tpu.memory_space<vmem>>) semaphore(%arg10 : memref<!tpu.dma_semaphore, #tpu.memory_space<semaphore_mem>>)
    %dma_start3A_43 = arith.constant 3 : i32
    %dma_start3A_44 = arith.constant 3 : i32
    %dma_start3A_45 = arith.constant 0 : i32
    %dma_start3A_46 = tpu.memref_slice %arg7[%dma_start3A_44, %dma_start3A_45] : memref<4x128xi32, #tpu.memory_space<vmem>> -> memref<1x128xi32, #tpu.memory_space<vmem>>
    %dma_start3A_47 = tpu.memref_squeeze %dma_start3A_46 : memref<1x128xi32, #tpu.memory_space<vmem>> -> memref<128xi32, #tpu.memory_space<vmem>>
    %dma_start3A_48 = arith.constant 0 : i32
    %dma_start3A_49 = tpu.memref_slice %arg6[%dma_start3A_43, %dma_start3A_48] : memref<4x128xi32, #tpu.memory_space<vmem>> -> memref<1x128xi32, #tpu.memory_space<vmem>>
    %dma_start3A_50 = tpu.memref_squeeze %dma_start3A_49 : memref<1x128xi32, #tpu.memory_space<vmem>> -> memref<128xi32, #tpu.memory_space<vmem>>
    %dma_start3A_51 = arith.constant 0 : i32
    %dma_start3A_52 = tpu.memref_slice %arg4[%dma_start3A_51] : memref<10000xi32, #tpu.memory_space<hbm>> -> memref<10000xi32, #tpu.memory_space<hbm>>
    tpu.enqueue_indirect_dma source(%dma_start3A_52 : memref<10000xi32, #tpu.memory_space<hbm>>) target(%dma_start3A_47 : memref<128xi32, #tpu.memory_space<vmem>>) offsets(%dma_start3A_50 : memref<128xi32, #tpu.memory_space<vmem>>) semaphore(%arg10 : memref<!tpu.dma_semaphore, #tpu.memory_space<semaphore_mem>>)
    %dma_wait3A = arith.constant 0 : i32
    %dma_wait3A_53 = arith.constant 0 : i32
    %dma_wait3A_54 = arith.constant 0 : i32
    %dma_wait3A_55 = tpu.memref_slice %arg7[%dma_wait3A_53, %dma_wait3A_54] : memref<4x128xi32, #tpu.memory_space<vmem>> -> memref<1x128xi32, #tpu.memory_space<vmem>>
    %dma_wait3A_56 = tpu.memref_squeeze %dma_wait3A_55 : memref<1x128xi32, #tpu.memory_space<vmem>> -> memref<128xi32, #tpu.memory_space<vmem>>
    %dma_wait3A_57 = arith.constant 0 : i32
    %dma_wait3A_58 = tpu.memref_slice %arg6[%dma_wait3A, %dma_wait3A_57] : memref<4x128xi32, #tpu.memory_space<vmem>> -> memref<1x128xi32, #tpu.memory_space<vmem>>
    %dma_wait3A_59 = tpu.memref_squeeze %dma_wait3A_58 : memref<1x128xi32, #tpu.memory_space<vmem>> -> memref<128xi32, #tpu.memory_space<vmem>>
    %dma_wait3A_60 = arith.constant 0 : i32
    %dma_wait3A_61 = tpu.memref_slice %arg4[%dma_wait3A_60] : memref<10000xi32, #tpu.memory_space<hbm>> -> memref<10000xi32, #tpu.memory_space<hbm>>
    tpu.wait_indirect_dma semaphore(%arg10 : memref<!tpu.dma_semaphore, #tpu.memory_space<semaphore_mem>>) src(%dma_wait3A_61 : memref<10000xi32, #tpu.memory_space<hbm>>) dst(%dma_wait3A_56 : memref<128xi32, #tpu.memory_space<vmem>>)
    %dma_wait3A_62 = arith.constant 1 : i32
    %dma_wait3A_63 = arith.constant 1 : i32
    %dma_wait3A_64 = arith.constant 0 : i32
    %dma_wait3A_65 = tpu.memref_slice %arg7[%dma_wait3A_63, %dma_wait3A_64] : memref<4x128xi32, #tpu.memory_space<vmem>> -> memref<1x128xi32, #tpu.memory_space<vmem>>
    %dma_wait3A_66 = tpu.memref_squeeze %dma_wait3A_65 : memref<1x128xi32, #tpu.memory_space<vmem>> -> memref<128xi32, #tpu.memory_space<vmem>>
    %dma_wait3A_67 = arith.constant 0 : i32
    %dma_wait3A_68 = tpu.memref_slice %arg6[%dma_wait3A_62, %dma_wait3A_67] : memref<4x128xi32, #tpu.memory_space<vmem>> -> memref<1x128xi32, #tpu.memory_space<vmem>>
    %dma_wait3A_69 = tpu.memref_squeeze %dma_wait3A_68 : memref<1x128xi32, #tpu.memory_space<vmem>> -> memref<128xi32, #tpu.memory_space<vmem>>
    %dma_wait3A_70 = arith.constant 0 : i32
    %dma_wait3A_71 = tpu.memref_slice %arg4[%dma_wait3A_70] : memref<10000xi32, #tpu.memory_space<hbm>> -> memref<10000xi32, #tpu.memory_space<hbm>>
    tpu.wait_indirect_dma semaphore(%arg10 : memref<!tpu.dma_semaphore, #tpu.memory_space<semaphore_mem>>) src(%dma_wait3A_71 : memref<10000xi32, #tpu.memory_space<hbm>>) dst(%dma_wait3A_66 : memref<128xi32, #tpu.memory_space<vmem>>)
    %dma_wait3A_72 = arith.constant 2 : i32
    %dma_wait3A_73 = arith.constant 2 : i32
    %dma_wait3A_74 = arith.constant 0 : i32
    %dma_wait3A_75 = tpu.memref_slice %arg7[%dma_wait3A_73, %dma_wait3A_74] : memref<4x128xi32, #tpu.memory_space<vmem>> -> memref<1x128xi32, #tpu.memory_space<vmem>>
    %dma_wait3A_76 = tpu.memref_squeeze %dma_wait3A_75 : memref<1x128xi32, #tpu.memory_space<vmem>> -> memref<128xi32, #tpu.memory_space<vmem>>
    %dma_wait3A_77 = arith.constant 0 : i32
    %dma_wait3A_78 = tpu.memref_slice %arg6[%dma_wait3A_72, %dma_wait3A_77] : memref<4x128xi32, #tpu.memory_space<vmem>> -> memref<1x128xi32, #tpu.memory_space<vmem>>
    %dma_wait3A_79 = tpu.memref_squeeze %dma_wait3A_78 : memref<1x128xi32, #tpu.memory_space<vmem>> -> memref<128xi32, #tpu.memory_space<vmem>>
    %dma_wait3A_80 = arith.constant 0 : i32
    %dma_wait3A_81 = tpu.memref_slice %arg4[%dma_wait3A_80] : memref<10000xi32, #tpu.memory_space<hbm>> -> memref<10000xi32, #tpu.memory_space<hbm>>
    tpu.wait_indirect_dma semaphore(%arg10 : memref<!tpu.dma_semaphore, #tpu.memory_space<semaphore_mem>>) src(%dma_wait3A_81 : memref<10000xi32, #tpu.memory_space<hbm>>) dst(%dma_wait3A_76 : memref<128xi32, #tpu.memory_space<vmem>>)
    %dma_wait3A_82 = arith.constant 3 : i32
    %dma_wait3A_83 = arith.constant 3 : i32
    %dma_wait3A_84 = arith.constant 0 : i32
    %dma_wait3A_85 = tpu.memref_slice %arg7[%dma_wait3A_83, %dma_wait3A_84] : memref<4x128xi32, #tpu.memory_space<vmem>> -> memref<1x128xi32, #tpu.memory_space<vmem>>
    %dma_wait3A_86 = tpu.memref_squeeze %dma_wait3A_85 : memref<1x128xi32, #tpu.memory_space<vmem>> -> memref<128xi32, #tpu.memory_space<vmem>>
    %dma_wait3A_87 = arith.constant 0 : i32
    %dma_wait3A_88 = tpu.memref_slice %arg6[%dma_wait3A_82, %dma_wait3A_87] : memref<4x128xi32, #tpu.memory_space<vmem>> -> memref<1x128xi32, #tpu.memory_space<vmem>>
    %dma_wait3A_89 = tpu.memref_squeeze %dma_wait3A_88 : memref<1x128xi32, #tpu.memory_space<vmem>> -> memref<128xi32, #tpu.memory_space<vmem>>
    %dma_wait3A_90 = arith.constant 0 : i32
    %dma_wait3A_91 = tpu.memref_slice %arg4[%dma_wait3A_90] : memref<10000xi32, #tpu.memory_space<hbm>> -> memref<10000xi32, #tpu.memory_space<hbm>>
    tpu.wait_indirect_dma semaphore(%arg10 : memref<!tpu.dma_semaphore, #tpu.memory_space<semaphore_mem>>) src(%dma_wait3A_91 : memref<10000xi32, #tpu.memory_space<hbm>>) dst(%dma_wait3A_86 : memref<128xi32, #tpu.memory_space<vmem>>)
    %scan3A = arith.constant 0 : i32
    %scan3A_92 = arith.constant 0 : i32
    %scan3A_93 = arith.constant 8 : i32
    %scan3A_94 = arith.addi %scan3A_92, %scan3A_93 : i32
    %scan3A_95 = arith.constant 1 : i32
    %scan3A_96 = scf.for %scan3A_199 = %scan3A_92 to %scan3A_94 step %scan3A_95 iter_args(%scan3A_200 = %scan3A) -> (i32)  : i32 {
      %mul3A_201 = arith.constant 16 : i32
      %mul3A_202 = arith.muli %scan3A_199, %mul3A_201 : i32
      %get3A = arith.constant 0 : i32
      %get3A_203 = arith.index_cast %get3A : i32 to index
      %get3A_204 = arith.index_cast %mul3A_202 : i32 to index
      %get3A_205 = tpu.vector_load %arg6[%get3A_203, %get3A_204] {strides = array<i32>} : memref<4x128xi32, #tpu.memory_space<vmem>>, vector<1x16xi32>,
      %get3A_206 = vector.shape_cast %get3A_205 : vector<1x16xi32> to vector<16xi32>
      %get3A_207 = arith.constant 0 : i32
      %get3A_208 = arith.index_cast %get3A_207 : i32 to index
      %get3A_209 = arith.index_cast %mul3A_202 : i32 to index
      %get3A_210 = tpu.vector_load %arg7[%get3A_208, %get3A_209] {strides = array<i32>} : memref<4x128xi32, #tpu.memory_space<vmem>>, vector<1x16xi32>,
      %get3A_211 = vector.shape_cast %get3A_210 : vector<1x16xi32> to vector<16xi32>
      %add3A_212 = arith.constant 0 : i32
      %add3A_213 = arith.addi %mul3A_2, %add3A_212 : i32
      %mul3A_214 = arith.constant 16 : i32
      %mul3A_215 = arith.muli %scan3A_199, %mul3A_214 : i32
      %add3A_216 = arith.addi %add3A_213, %mul3A_215 : i32
      %iota3A = tpu.iota {dimensions = array<i32: 0>} : vector<16xi32>
      %add3A_217 = vector.broadcast %add3A_216 : i32 to vector<16xi32>
      %add3A_218 = arith.addi %add3A_217, %iota3A : vector<16xi32>
      %gt3A = arith.constant 0 : i32
      %gt3A_219 = vector.broadcast %gt3A : i32 to vector<16xi32>
      %gt3A_220 = arith.cmpi sgt, %get3A_211, %gt3A_219 : vector<16xi32>
      %add3A_221 = arith.constant 10000 : i32
      %add3A_222 = vector.broadcast %add3A_221 : i32 to vector<16xi32>
      %add3A_223 = arith.addi %add3A_222, %add3A_218 : vector<16xi32>
      %select_n3A = arith.select %gt3A_220, %get3A_206, %add3A_223 : vector<16xi1>, vector<16xi32>
      %swap3A = arith.constant 0 : i32
      %swap3A_224 = arith.index_cast %swap3A : i32 to index
      %swap3A_225 = arith.index_cast %mul3A_202 : i32 to index
      %swap3A_226 = tpu.vector_load %arg8[%swap3A_224, %swap3A_225] {strides = array<i32>} : memref<4x128xi32, #tpu.memory_space<vmem>>, vector<1x16xi32>,
      %swap3A_227 = vector.shape_cast %swap3A_226 : vector<1x16xi32> to vector<16xi32>
      %swap3A_228 = vector.shape_cast %select_n3A : vector<16xi32> to vector<1x16xi32>
      tpu.vector_store %arg8[%swap3A_224, %swap3A_225], %swap3A_228 {strides = array<i32>} : memref<4x128xi32, #tpu.memory_space<vmem>>, vector<1x16xi32>,
      %scan3A_229 = arith.constant 0 : i32
      scf.yield %scan3A_229 : i32
    }
    %scan3A_97 = arith.constant 8 : i32
    %scan3A_98 = arith.constant 0 : i32
    %scan3A_99 = arith.constant 0 : i32
    %scan3A_100 = arith.constant 8 : i32
    %scan3A_101 = arith.addi %scan3A_99, %scan3A_100 : i32
    %scan3A_102 = arith.constant 1 : i32
    %scan3A_103 = scf.for %scan3A_199 = %scan3A_99 to %scan3A_101 step %scan3A_102 iter_args(%scan3A_200 = %scan3A_98) -> (i32)  : i32 {
      %mul3A_201 = arith.constant 16 : i32
      %mul3A_202 = arith.muli %scan3A_199, %mul3A_201 : i32
      %get3A = arith.constant 1 : i32
      %get3A_203 = arith.index_cast %get3A : i32 to index
      %get3A_204 = arith.index_cast %mul3A_202 : i32 to index
      %get3A_205 = tpu.vector_load %arg6[%get3A_203, %get3A_204] {strides = array<i32>} : memref<4x128xi32, #tpu.memory_space<vmem>>, vector<1x16xi32>,
      %get3A_206 = vector.shape_cast %get3A_205 : vector<1x16xi32> to vector<16xi32>
      %get3A_207 = arith.constant 1 : i32
      %get3A_208 = arith.index_cast %get3A_207 : i32 to index
      %get3A_209 = arith.index_cast %mul3A_202 : i32 to index
      %get3A_210 = tpu.vector_load %arg7[%get3A_208, %get3A_209] {strides = array<i32>} : memref<4x128xi32, #tpu.memory_space<vmem>>, vector<1x16xi32>,
      %get3A_211 = vector.shape_cast %get3A_210 : vector<1x16xi32> to vector<16xi32>
      %add3A_212 = arith.constant 128 : i32
      %add3A_213 = arith.addi %mul3A_2, %add3A_212 : i32
      %mul3A_214 = arith.constant 16 : i32
      %mul3A_215 = arith.muli %scan3A_199, %mul3A_214 : i32
      %add3A_216 = arith.addi %add3A_213, %mul3A_215 : i32
      %iota3A = tpu.iota {dimensions = array<i32: 0>} : vector<16xi32>
      %add3A_217 = vector.broadcast %add3A_216 : i32 to vector<16xi32>
      %add3A_218 = arith.addi %add3A_217, %iota3A : vector<16xi32>
      %gt3A = arith.constant 0 : i32
      %gt3A_219 = vector.broadcast %gt3A : i32 to vector<16xi32>
      %gt3A_220 = arith.cmpi sgt, %get3A_211, %gt3A_219 : vector<16xi32>
      %add3A_221 = arith.constant 10000 : i32
      %add3A_222 = vector.broadcast %add3A_221 : i32 to vector<16xi32>
      %add3A_223 = arith.addi %add3A_222, %add3A_218 : vector<16xi32>
      %select_n3A = arith.select %gt3A_220, %get3A_206, %add3A_223 : vector<16xi1>, vector<16xi32>
      %swap3A = arith.constant 1 : i32
      %swap3A_224 = arith.index_cast %swap3A : i32 to index
      %swap3A_225 = arith.index_cast %mul3A_202 : i32 to index
      %swap3A_226 = tpu.vector_load %arg8[%swap3A_224, %swap3A_225] {strides = array<i32>} : memref<4x128xi32, #tpu.memory_space<vmem>>, vector<1x16xi32>,
      %swap3A_227 = vector.shape_cast %swap3A_226 : vector<1x16xi32> to vector<16xi32>
      %swap3A_228 = vector.shape_cast %select_n3A : vector<16xi32> to vector<1x16xi32>
      tpu.vector_store %arg8[%swap3A_224, %swap3A_225], %swap3A_228 {strides = array<i32>} : memref<4x128xi32, #tpu.memory_space<vmem>>, vector<1x16xi32>,
      %scan3A_229 = arith.constant 0 : i32
      scf.yield %scan3A_229 : i32
    }
    %scan3A_104 = arith.constant 8 : i32
    %scan3A_105 = arith.constant 0 : i32
    %scan3A_106 = arith.constant 0 : i32
    %scan3A_107 = arith.constant 8 : i32
    %scan3A_108 = arith.addi %scan3A_106, %scan3A_107 : i32
    %scan3A_109 = arith.constant 1 : i32
    %scan3A_110 = scf.for %scan3A_199 = %scan3A_106 to %scan3A_108 step %scan3A_109 iter_args(%scan3A_200 = %scan3A_105) -> (i32)  : i32 {
      %mul3A_201 = arith.constant 16 : i32
      %mul3A_202 = arith.muli %scan3A_199, %mul3A_201 : i32
      %get3A = arith.constant 2 : i32
      %get3A_203 = arith.index_cast %get3A : i32 to index
      %get3A_204 = arith.index_cast %mul3A_202 : i32 to index
      %get3A_205 = tpu.vector_load %arg6[%get3A_203, %get3A_204] {strides = array<i32>} : memref<4x128xi32, #tpu.memory_space<vmem>>, vector<1x16xi32>,
      %get3A_206 = vector.shape_cast %get3A_205 : vector<1x16xi32> to vector<16xi32>
      %get3A_207 = arith.constant 2 : i32
      %get3A_208 = arith.index_cast %get3A_207 : i32 to index
      %get3A_209 = arith.index_cast %mul3A_202 : i32 to index
      %get3A_210 = tpu.vector_load %arg7[%get3A_208, %get3A_209] {strides = array<i32>} : memref<4x128xi32, #tpu.memory_space<vmem>>, vector<1x16xi32>,
      %get3A_211 = vector.shape_cast %get3A_210 : vector<1x16xi32> to vector<16xi32>
      %add3A_212 = arith.constant 256 : i32
      %add3A_213 = arith.addi %mul3A_2, %add3A_212 : i32
      %mul3A_214 = arith.constant 16 : i32
      %mul3A_215 = arith.muli %scan3A_199, %mul3A_214 : i32
      %add3A_216 = arith.addi %add3A_213, %mul3A_215 : i32
      %iota3A = tpu.iota {dimensions = array<i32: 0>} : vector<16xi32>
      %add3A_217 = vector.broadcast %add3A_216 : i32 to vector<16xi32>
      %add3A_218 = arith.addi %add3A_217, %iota3A : vector<16xi32>
      %gt3A = arith.constant 0 : i32
      %gt3A_219 = vector.broadcast %gt3A : i32 to vector<16xi32>
      %gt3A_220 = arith.cmpi sgt, %get3A_211, %gt3A_219 : vector<16xi32>
      %add3A_221 = arith.constant 10000 : i32
      %add3A_222 = vector.broadcast %add3A_221 : i32 to vector<16xi32>
      %add3A_223 = arith.addi %add3A_222, %add3A_218 : vector<16xi32>
      %select_n3A = arith.select %gt3A_220, %get3A_206, %add3A_223 : vector<16xi1>, vector<16xi32>
      %swap3A = arith.constant 2 : i32
      %swap3A_224 = arith.index_cast %swap3A : i32 to index
      %swap3A_225 = arith.index_cast %mul3A_202 : i32 to index
      %swap3A_226 = tpu.vector_load %arg8[%swap3A_224, %swap3A_225] {strides = array<i32>} : memref<4x128xi32, #tpu.memory_space<vmem>>, vector<1x16xi32>,
      %swap3A_227 = vector.shape_cast %swap3A_226 : vector<1x16xi32> to vector<16xi32>
      %swap3A_228 = vector.shape_cast %select_n3A : vector<16xi32> to vector<1x16xi32>
      tpu.vector_store %arg8[%swap3A_224, %swap3A_225], %swap3A_228 {strides = array<i32>} : memref<4x128xi32, #tpu.memory_space<vmem>>, vector<1x16xi32>,
      %scan3A_229 = arith.constant 0 : i32
      scf.yield %scan3A_229 : i32
    }
    %scan3A_111 = arith.constant 8 : i32
    %scan3A_112 = arith.constant 0 : i32
    %scan3A_113 = arith.constant 0 : i32
    %scan3A_114 = arith.constant 8 : i32
    %scan3A_115 = arith.addi %scan3A_113, %scan3A_114 : i32
    %scan3A_116 = arith.constant 1 : i32
    %scan3A_117 = scf.for %scan3A_199 = %scan3A_113 to %scan3A_115 step %scan3A_116 iter_args(%scan3A_200 = %scan3A_112) -> (i32)  : i32 {
      %mul3A_201 = arith.constant 16 : i32
      %mul3A_202 = arith.muli %scan3A_199, %mul3A_201 : i32
      %get3A = arith.constant 3 : i32
      %get3A_203 = arith.index_cast %get3A : i32 to index
      %get3A_204 = arith.index_cast %mul3A_202 : i32 to index
      %get3A_205 = tpu.vector_load %arg6[%get3A_203, %get3A_204] {strides = array<i32>} : memref<4x128xi32, #tpu.memory_space<vmem>>, vector<1x16xi32>,
      %get3A_206 = vector.shape_cast %get3A_205 : vector<1x16xi32> to vector<16xi32>
      %get3A_207 = arith.constant 3 : i32
      %get3A_208 = arith.index_cast %get3A_207 : i32 to index
      %get3A_209 = arith.index_cast %mul3A_202 : i32 to index
      %get3A_210 = tpu.vector_load %arg7[%get3A_208, %get3A_209] {strides = array<i32>} : memref<4x128xi32, #tpu.memory_space<vmem>>, vector<1x16xi32>,
      %get3A_211 = vector.shape_cast %get3A_210 : vector<1x16xi32> to vector<16xi32>
      %add3A_212 = arith.constant 384 : i32
      %add3A_213 = arith.addi %mul3A_2, %add3A_212 : i32
      %mul3A_214 = arith.constant 16 : i32
      %mul3A_215 = arith.muli %scan3A_199, %mul3A_214 : i32
      %add3A_216 = arith.addi %add3A_213, %mul3A_215 : i32
      %iota3A = tpu.iota {dimensions = array<i32: 0>} : vector<16xi32>
      %add3A_217 = vector.broadcast %add3A_216 : i32 to vector<16xi32>
      %add3A_218 = arith.addi %add3A_217, %iota3A : vector<16xi32>
      %gt3A = arith.constant 0 : i32
      %gt3A_219 = vector.broadcast %gt3A : i32 to vector<16xi32>
      %gt3A_220 = arith.cmpi sgt, %get3A_211, %gt3A_219 : vector<16xi32>
      %add3A_221 = arith.constant 10000 : i32
      %add3A_222 = vector.broadcast %add3A_221 : i32 to vector<16xi32>
      %add3A_223 = arith.addi %add3A_222, %add3A_218 : vector<16xi32>
      %select_n3A = arith.select %gt3A_220, %get3A_206, %add3A_223 : vector<16xi1>, vector<16xi32>
      %swap3A = arith.constant 3 : i32
      %swap3A_224 = arith.index_cast %swap3A : i32 to index
      %swap3A_225 = arith.index_cast %mul3A_202 : i32 to index
      %swap3A_226 = tpu.vector_load %arg8[%swap3A_224, %swap3A_225] {strides = array<i32>} : memref<4x128xi32, #tpu.memory_space<vmem>>, vector<1x16xi32>,
      %swap3A_227 = vector.shape_cast %swap3A_226 : vector<1x16xi32> to vector<16xi32>
      %swap3A_228 = vector.shape_cast %select_n3A : vector<16xi32> to vector<1x16xi32>
      tpu.vector_store %arg8[%swap3A_224, %swap3A_225], %swap3A_228 {strides = array<i32>} : memref<4x128xi32, #tpu.memory_space<vmem>>, vector<1x16xi32>,
      %scan3A_229 = arith.constant 0 : i32
      scf.yield %scan3A_229 : i32
    }
    %scan3A_118 = arith.constant 8 : i32
    %dma_start3A_119 = arith.constant 0 : i32
    %dma_start3A_120 = arith.constant 0 : i32
    %dma_start3A_121 = arith.constant 0 : i32
    %dma_start3A_122 = tpu.memref_slice %arg9[%dma_start3A_120, %dma_start3A_121] : memref<512x64xf32, #tpu.memory_space<vmem>> -> memref<128x64xf32, #tpu.memory_space<vmem>>
    %dma_start3A_123 = arith.constant 0 : i32
    %dma_start3A_124 = tpu.memref_slice %arg8[%dma_start3A_119, %dma_start3A_123] : memref<4x128xi32, #tpu.memory_space<vmem>> -> memref<1x128xi32, #tpu.memory_space<vmem>>
    %dma_start3A_125 = tpu.memref_squeeze %dma_start3A_124 : memref<1x128xi32, #tpu.memory_space<vmem>> -> memref<128xi32, #tpu.memory_space<vmem>>
    %dma_start3A_126 = arith.constant 0 : i32
    %dma_start3A_127 = arith.constant 0 : i32
    %dma_start3A_128 = tpu.memref_slice %arg2[%dma_start3A_126, %dma_start3A_127] : memref<26384x64xf32, #tpu.memory_space<hbm>> -> memref<26384x64xf32, #tpu.memory_space<hbm>>
    tpu.enqueue_indirect_dma source(%dma_start3A_128 : memref<26384x64xf32, #tpu.memory_space<hbm>>) target(%dma_start3A_122 : memref<128x64xf32, #tpu.memory_space<vmem>>) offsets(%dma_start3A_125 : memref<128xi32, #tpu.memory_space<vmem>>) semaphore(%arg10 : memref<!tpu.dma_semaphore, #tpu.memory_space<semaphore_mem>>)
    %dma_start3A_129 = arith.constant 1 : i32
    %dma_start3A_130 = arith.constant 128 : i32
    %dma_start3A_131 = arith.constant 0 : i32
    %dma_start3A_132 = tpu.memref_slice %arg9[%dma_start3A_130, %dma_start3A_131] : memref<512x64xf32, #tpu.memory_space<vmem>> -> memref<128x64xf32, #tpu.memory_space<vmem>>
    %dma_start3A_133 = arith.constant 0 : i32
    %dma_start3A_134 = tpu.memref_slice %arg8[%dma_start3A_129, %dma_start3A_133] : memref<4x128xi32, #tpu.memory_space<vmem>> -> memref<1x128xi32, #tpu.memory_space<vmem>>
    %dma_start3A_135 = tpu.memref_squeeze %dma_start3A_134 : memref<1x128xi32, #tpu.memory_space<vmem>> -> memref<128xi32, #tpu.memory_space<vmem>>
    %dma_start3A_136 = arith.constant 0 : i32
    %dma_start3A_137 = arith.constant 0 : i32
    %dma_start3A_138 = tpu.memref_slice %arg2[%dma_start3A_136, %dma_start3A_137] : memref<26384x64xf32, #tpu.memory_space<hbm>> -> memref<26384x64xf32, #tpu.memory_space<hbm>>
    tpu.enqueue_indirect_dma source(%dma_start3A_138 : memref<26384x64xf32, #tpu.memory_space<hbm>>) target(%dma_start3A_132 : memref<128x64xf32, #tpu.memory_space<vmem>>) offsets(%dma_start3A_135 : memref<128xi32, #tpu.memory_space<vmem>>) semaphore(%arg10 : memref<!tpu.dma_semaphore, #tpu.memory_space<semaphore_mem>>)
    %dma_start3A_139 = arith.constant 2 : i32
    %dma_start3A_140 = arith.constant 256 : i32
    %dma_start3A_141 = arith.constant 0 : i32
    %dma_start3A_142 = tpu.memref_slice %arg9[%dma_start3A_140, %dma_start3A_141] : memref<512x64xf32, #tpu.memory_space<vmem>> -> memref<128x64xf32, #tpu.memory_space<vmem>>
    %dma_start3A_143 = arith.constant 0 : i32
    %dma_start3A_144 = tpu.memref_slice %arg8[%dma_start3A_139, %dma_start3A_143] : memref<4x128xi32, #tpu.memory_space<vmem>> -> memref<1x128xi32, #tpu.memory_space<vmem>>
    %dma_start3A_145 = tpu.memref_squeeze %dma_start3A_144 : memref<1x128xi32, #tpu.memory_space<vmem>> -> memref<128xi32, #tpu.memory_space<vmem>>
    %dma_start3A_146 = arith.constant 0 : i32
    %dma_start3A_147 = arith.constant 0 : i32
    %dma_start3A_148 = tpu.memref_slice %arg2[%dma_start3A_146, %dma_start3A_147] : memref<26384x64xf32, #tpu.memory_space<hbm>> -> memref<26384x64xf32, #tpu.memory_space<hbm>>
    tpu.enqueue_indirect_dma source(%dma_start3A_148 : memref<26384x64xf32, #tpu.memory_space<hbm>>) target(%dma_start3A_142 : memref<128x64xf32, #tpu.memory_space<vmem>>) offsets(%dma_start3A_145 : memref<128xi32, #tpu.memory_space<vmem>>) semaphore(%arg10 : memref<!tpu.dma_semaphore, #tpu.memory_space<semaphore_mem>>)
    %dma_start3A_149 = arith.constant 3 : i32
    %dma_start3A_150 = arith.constant 384 : i32
    %dma_start3A_151 = arith.constant 0 : i32
    %dma_start3A_152 = tpu.memref_slice %arg9[%dma_start3A_150, %dma_start3A_151] : memref<512x64xf32, #tpu.memory_space<vmem>> -> memref<128x64xf32, #tpu.memory_space<vmem>>
    %dma_start3A_153 = arith.constant 0 : i32
    %dma_start3A_154 = tpu.memref_slice %arg8[%dma_start3A_149, %dma_start3A_153] : memref<4x128xi32, #tpu.memory_space<vmem>> -> memref<1x128xi32, #tpu.memory_space<vmem>>
    %dma_start3A_155 = tpu.memref_squeeze %dma_start3A_154 : memref<1x128xi32, #tpu.memory_space<vmem>> -> memref<128xi32, #tpu.memory_space<vmem>>
    %dma_start3A_156 = arith.constant 0 : i32
    %dma_start3A_157 = arith.constant 0 : i32
    %dma_start3A_158 = tpu.memref_slice %arg2[%dma_start3A_156, %dma_start3A_157] : memref<26384x64xf32, #tpu.memory_space<hbm>> -> memref<26384x64xf32, #tpu.memory_space<hbm>>
    tpu.enqueue_indirect_dma source(%dma_start3A_158 : memref<26384x64xf32, #tpu.memory_space<hbm>>) target(%dma_start3A_152 : memref<128x64xf32, #tpu.memory_space<vmem>>) offsets(%dma_start3A_155 : memref<128xi32, #tpu.memory_space<vmem>>) semaphore(%arg10 : memref<!tpu.dma_semaphore, #tpu.memory_space<semaphore_mem>>)
    %dma_wait3A_159 = arith.constant 0 : i32
    %dma_wait3A_160 = arith.constant 0 : i32
    %dma_wait3A_161 = arith.constant 0 : i32
    %dma_wait3A_162 = tpu.memref_slice %arg9[%dma_wait3A_160, %dma_wait3A_161] : memref<512x64xf32, #tpu.memory_space<vmem>> -> memref<128x64xf32, #tpu.memory_space<vmem>>
    %dma_wait3A_163 = arith.constant 0 : i32
    %dma_wait3A_164 = tpu.memref_slice %arg8[%dma_wait3A_159, %dma_wait3A_163] : memref<4x128xi32, #tpu.memory_space<vmem>> -> memref<1x128xi32, #tpu.memory_space<vmem>>
    %dma_wait3A_165 = tpu.memref_squeeze %dma_wait3A_164 : memref<1x128xi32, #tpu.memory_space<vmem>> -> memref<128xi32, #tpu.memory_space<vmem>>
    %dma_wait3A_166 = arith.constant 0 : i32
    %dma_wait3A_167 = arith.constant 0 : i32
    %dma_wait3A_168 = tpu.memref_slice %arg2[%dma_wait3A_166, %dma_wait3A_167] : memref<26384x64xf32, #tpu.memory_space<hbm>> -> memref<26384x64xf32, #tpu.memory_space<hbm>>
    tpu.wait_indirect_dma semaphore(%arg10 : memref<!tpu.dma_semaphore, #tpu.memory_space<semaphore_mem>>) src(%dma_wait3A_168 : memref<26384x64xf32, #tpu.memory_space<hbm>>) dst(%dma_wait3A_162 : memref<128x64xf32, #tpu.memory_space<vmem>>)
    %dma_wait3A_169 = arith.constant 1 : i32
    %dma_wait3A_170 = arith.constant 128 : i32
    %dma_wait3A_171 = arith.constant 0 : i32
    %dma_wait3A_172 = tpu.memref_slice %arg9[%dma_wait3A_170, %dma_wait3A_171] : memref<512x64xf32, #tpu.memory_space<vmem>> -> memref<128x64xf32, #tpu.memory_space<vmem>>
    %dma_wait3A_173 = arith.constant 0 : i32
    %dma_wait3A_174 = tpu.memref_slice %arg8[%dma_wait3A_169, %dma_wait3A_173] : memref<4x128xi32, #tpu.memory_space<vmem>> -> memref<1x128xi32, #tpu.memory_space<vmem>>
    %dma_wait3A_175 = tpu.memref_squeeze %dma_wait3A_174 : memref<1x128xi32, #tpu.memory_space<vmem>> -> memref<128xi32, #tpu.memory_space<vmem>>
    %dma_wait3A_176 = arith.constant 0 : i32
    %dma_wait3A_177 = arith.constant 0 : i32
    %dma_wait3A_178 = tpu.memref_slice %arg2[%dma_wait3A_176, %dma_wait3A_177] : memref<26384x64xf32, #tpu.memory_space<hbm>> -> memref<26384x64xf32, #tpu.memory_space<hbm>>
    tpu.wait_indirect_dma semaphore(%arg10 : memref<!tpu.dma_semaphore, #tpu.memory_space<semaphore_mem>>) src(%dma_wait3A_178 : memref<26384x64xf32, #tpu.memory_space<hbm>>) dst(%dma_wait3A_172 : memref<128x64xf32, #tpu.memory_space<vmem>>)
    %dma_wait3A_179 = arith.constant 2 : i32
    %dma_wait3A_180 = arith.constant 256 : i32
    %dma_wait3A_181 = arith.constant 0 : i32
    %dma_wait3A_182 = tpu.memref_slice %arg9[%dma_wait3A_180, %dma_wait3A_181] : memref<512x64xf32, #tpu.memory_space<vmem>> -> memref<128x64xf32, #tpu.memory_space<vmem>>
    %dma_wait3A_183 = arith.constant 0 : i32
    %dma_wait3A_184 = tpu.memref_slice %arg8[%dma_wait3A_179, %dma_wait3A_183] : memref<4x128xi32, #tpu.memory_space<vmem>> -> memref<1x128xi32, #tpu.memory_space<vmem>>
    %dma_wait3A_185 = tpu.memref_squeeze %dma_wait3A_184 : memref<1x128xi32, #tpu.memory_space<vmem>> -> memref<128xi32, #tpu.memory_space<vmem>>
    %dma_wait3A_186 = arith.constant 0 : i32
    %dma_wait3A_187 = arith.constant 0 : i32
    %dma_wait3A_188 = tpu.memref_slice %arg2[%dma_wait3A_186, %dma_wait3A_187] : memref<26384x64xf32, #tpu.memory_space<hbm>> -> memref<26384x64xf32, #tpu.memory_space<hbm>>
    tpu.wait_indirect_dma semaphore(%arg10 : memref<!tpu.dma_semaphore, #tpu.memory_space<semaphore_mem>>) src(%dma_wait3A_188 : memref<26384x64xf32, #tpu.memory_space<hbm>>) dst(%dma_wait3A_182 : memref<128x64xf32, #tpu.memory_space<vmem>>)
    %dma_wait3A_189 = arith.constant 3 : i32
    %dma_wait3A_190 = arith.constant 384 : i32
    %dma_wait3A_191 = arith.constant 0 : i32
    %dma_wait3A_192 = tpu.memref_slice %arg9[%dma_wait3A_190, %dma_wait3A_191] : memref<512x64xf32, #tpu.memory_space<vmem>> -> memref<128x64xf32, #tpu.memory_space<vmem>>
    %dma_wait3A_193 = arith.constant 0 : i32
    %dma_wait3A_194 = tpu.memref_slice %arg8[%dma_wait3A_189, %dma_wait3A_193] : memref<4x128xi32, #tpu.memory_space<vmem>> -> memref<1x128xi32, #tpu.memory_space<vmem>>
    %dma_wait3A_195 = tpu.memref_squeeze %dma_wait3A_194 : memref<1x128xi32, #tpu.memory_space<vmem>> -> memref<128xi32, #tpu.memory_space<vmem>>
    %dma_wait3A_196 = arith.constant 0 : i32
    %dma_wait3A_197 = arith.constant 0 : i32
    %dma_wait3A_198 = tpu.memref_slice %arg2[%dma_wait3A_196, %dma_wait3A_197] : memref<26384x64xf32, #tpu.memory_space<hbm>> -> memref<26384x64xf32, #tpu.memory_space<hbm>>
    tpu.wait_indirect_dma semaphore(%arg10 : memref<!tpu.dma_semaphore, #tpu.memory_space<semaphore_mem>>) src(%dma_wait3A_198 : memref<26384x64xf32, #tpu.memory_space<hbm>>) dst(%dma_wait3A_192 : memref<128x64xf32, #tpu.memory_space<vmem>>)
    "tpu.region"() ({
      %run_scoped3A_199 = tpu.sem_alloc : memref<!tpu.dma_semaphore, #tpu.memory_space<semaphore_mem>>
      %dma_start3A_200 = arith.constant 0 : i32
      %dma_start3A_201 = tpu.memref_slice %arg5[%mul3A_2, %dma_start3A_200] : memref<16384x64xf32, #tpu.memory_space<hbm>> -> memref<512x64xf32, #tpu.memory_space<hbm>>
      %dma_start3A_202 = arith.constant 0 : i32
      %dma_start3A_203 = tpu.memref_slice %arg5[%mul3A_2, %dma_start3A_202] : memref<16384x64xf32, #tpu.memory_space<hbm>> -> memref<512x64xf32, #tpu.memory_space<hbm>>
      tpu.enqueue_dma source(%arg9 : memref<512x64xf32, #tpu.memory_space<vmem>>) target(%dma_start3A_203 : memref<512x64xf32, #tpu.memory_space<hbm>>) target_semaphore(%run_scoped3A_199 : memref<!tpu.dma_semaphore, #tpu.memory_space<semaphore_mem>>)
      %dma_wait3A_204 = arith.constant 0 : i32
      %dma_wait3A_205 = tpu.memref_slice %arg5[%mul3A_2, %dma_wait3A_204] : memref<16384x64xf32, #tpu.memory_space<hbm>> -> memref<512x64xf32, #tpu.memory_space<hbm>>
      %dma_wait3A_206 = arith.constant 0 : i32
      %dma_wait3A_207 = tpu.memref_slice %arg5[%mul3A_2, %dma_wait3A_206] : memref<16384x64xf32, #tpu.memory_space<hbm>> -> memref<512x64xf32, #tpu.memory_space<hbm>>
      tpu.wait_dma2 semaphore(%run_scoped3A_199 : memref<!tpu.dma_semaphore, #tpu.memory_space<semaphore_mem>>) src(%arg9 : memref<512x64xf32, #tpu.memory_space<vmem>>) dst(%dma_wait3A_207 : memref<512x64xf32, #tpu.memory_space<hbm>>)
      tpu.yield
    }) : () -> ()
    return
  }
}

module attributes {stable_mosaic.version = 14 : i64} {
  func.func @_means_body(%arg0: i32, %arg1: memref<1x128xi32, #tpu.memory_space<vmem>>, %arg2: memref<100x64x128xf32, #tpu.memory_space<vmem>>, %arg3: memref<64x128xf32, #tpu.memory_space<vmem>>) attributes {dimension_semantics = [#tpu.dimension_semantics<arbitrary>], iteration_bounds = array<i64: 79>, scalar_prefetch = 0 : i64, scratch_operands = 0 : i64, tpu.core_type = #tpu.core_type<tc>, window_params = [{transform_indices = @transform_0, window_bounds = array<i64: 1, 128>}, {transform_indices = @transform_1, window_bounds = array<i64: 100, 64, 128>}, {transform_indices = @transform_2, window_bounds = array<i64: 64, 128>}]} {
    %get3A = arith.constant 0 : index
    %get3A_0 = arith.constant 0 : index
    %get3A_1 = vector.load %arg1[%get3A, %get3A_0] : memref<1x128xi32, #tpu.memory_space<vmem>>, vector<1x128xi32>
    %convert_element_type3A = arith.sitofp %get3A_1 : vector<1x128xi32> to vector<1x128xf32>
    %max3A = arith.constant 1.000000e+00 : f32
    %max3A_2 = vector.broadcast %max3A : f32 to vector<1x128xf32>
    %max3A_3 = arith.maximumf %convert_element_type3A, %max3A_2 : vector<1x128xf32>
    %div3A = arith.constant 1.000000e+00 : f32
    %div3A_4 = vector.broadcast %div3A : f32 to vector<1x128xf32>
    %div3A_5 = arith.divf %div3A_4, %max3A_3 : vector<1x128xf32>
    %iota3A = tpu.iota {dimensions = array<i32: 0>} : vector<100x1x128xi32>
    %broadcast_in_dim3A = vector.shape_cast %get3A_1 : vector<1x128xi32> to vector<1x1x128xi32>
    %lt3A = vector.broadcast %broadcast_in_dim3A : vector<1x1x128xi32> to vector<100x1x128xi32>
    %lt3A_6 = arith.cmpi slt, %iota3A, %lt3A : vector<100x1x128xi32>
    %broadcast_in_dim3A_7 = vector.shape_cast %div3A_5 : vector<1x128xf32> to vector<1x1x128xf32>
    %jit3A = arith.constant 0.000000e+00 : f32
    %broadcast_in_dim3A_8 = vector.shape_cast %broadcast_in_dim3A_7 : vector<1x1x128xf32> to vector<1x1x128xf32>
    %broadcast_in_dim3A_9 = vector.broadcast %broadcast_in_dim3A_8 : vector<1x1x128xf32> to vector<100x1x128xf32>
    %broadcast_in_dim3A_10 = vector.broadcast %jit3A : f32 to vector<100x1x128xf32>
    %select_n3A = arith.select %lt3A_6, %broadcast_in_dim3A_9, %broadcast_in_dim3A_10 : vector<100x1x128xi1>, vector<100x1x128xf32>
    %get3A_11 = arith.constant 0 : index
    %get3A_12 = arith.constant 0 : index
    %get3A_13 = arith.constant 0 : index
    %get3A_14 = vector.load %arg2[%get3A_11, %get3A_12, %get3A_13] : memref<100x64x128xf32, #tpu.memory_space<vmem>>, vector<100x64x128xf32>
    %mul3A = vector.broadcast %select_n3A : vector<100x1x128xf32> to vector<100x64x128xf32>
    %mul3A_15 = arith.mulf %get3A_14, %mul3A : vector<100x64x128xf32>
    %reduce_sum3A = arith.constant dense<0.000000e+00> : vector<64x128xf32>
    %reduce_sum3A_16 = vector.multi_reduction <add>, %mul3A_15, %reduce_sum3A [0] : vector<100x64x128xf32> to vector<64x128xf32>
    %swap3A = arith.constant 0 : index
    %swap3A_17 = arith.constant 0 : index
    %swap3A_18 = vector.load %arg3[%swap3A, %swap3A_17] : memref<64x128xf32, #tpu.memory_space<vmem>>, vector<64x128xf32>
    tpu.vector_store %arg3[%swap3A, %swap3A_17], %reduce_sum3A_16 {strides = array<i32>} : memref<64x128xf32, #tpu.memory_space<vmem>>, vector<64x128xf32>,
    return
  }
  func.func @transform_0(%arg0: i32) -> (i32, i32) {
    %c0_i32 = arith.constant 0 : i32
    %c0_i32_0 = arith.constant 0 : i32
    return %c0_i32, %arg0 : i32, i32
  }
  func.func @transform_1(%arg0: i32) -> (i32, i32, i32) {
    %c0_i32 = arith.constant 0 : i32
    %c0_i32_0 = arith.constant 0 : i32
    %c0_i32_1 = arith.constant 0 : i32
    return %c0_i32, %c0_i32_0, %arg0 : i32, i32, i32
  }
  func.func @transform_2(%arg0: i32) -> (i32, i32) {
    %c0_i32 = arith.constant 0 : i32
    %c0_i32_0 = arith.constant 0 : i32
    return %c0_i32, %arg0 : i32, i32
  }
}

</mosaic_0001>

<sc_bundles>
// kernel: _impl.4.cloned.1.call-start
scs
__scs_entry_jumppad:
0x0: {  	(pc) =	sbr.rel $0x88, $3  }
0x1: {  	(tag) =	ssettag $0x0;
	lr =	simm.s32 $0x1  }
0x2: {  	[smem:$0x3F9E] =	sst lr;
	_ =	strace $0xD0000000  }
0x3: {  	_ = 	snop  }
0x4: {  	_ = 	snop  }
0x5: {  	_ = 	snop  }
0x6: {  	_ = 	snop  }
0x7: {  	_ = 	snop  }
__scs_overlays_trampoline_lowered:
0x8: {  	[smem:$0x3FAD] =	sst s0  }
0x9: {  	[smem:$0x3FAE] =	sst s1  }
0xa: {  	[smem:$0x3FAF] =	sst s2  }
0xb: {  	[smem:$0x3FB0] =	sst s3  }
0xc: {  	[smem:$0x3FB1] =	sst s4  }
0xd: {  	[smem:$0x3FB2] =	sst s5  }
0xe: {  	[smem:$0x3FB3] =	sst s6  }
0xf: {  	[smem:$0x3FB4] =	sst s7  }
0x10: {  	[smem:$0x3FB5] =	sst s8  }
0x11: {  	[smem:$0x3FB6] =	sst s9;
	s0 =	simm.s32 @!p0 $0x0  }
0x12: {  	s1 =	sld [smem:$0x3F9C];
	s0 =	simm.s32 @p0 $0x1  }
0x13: {  	[smem:$0x3FB7] =	sst s0;
	s0 =	simm.s32 @!p1 $0x0  }
0x14: {  	s2 =	sld [smem:$0x3F9B];
	s0 =	simm.s32 @p1 $0x1  }
0x15: {  	[smem:$0x3FB8] =	sst s0;
	s0 =	simm.s32 @!p2 $0x0  }
0x16: {  	s3 =	sld [smem:$0x3FDB];
	s0 =	simm.s32 @p2 $0x1  }
0x17: {  	s4 =	simm.s32 $0x1BF5;
	[smem:$0x3FBA] =	sst s0  }
0x18: {  	s0 =	sld [smem:$0x3F9D];
	_ =	swait.ge [sflag:s4], $0x0  }
0x19: {  	s7 =	sld [smem:$0x3F9E]  }
0x1a: {  	s8 =	sadd.s32 $0xFFFFE003, lr  }
0x1b: {  	s9 =	sadd.s32 $0xFFFFFEF7, lr;
	s5 =	simm.s32 $0xFFFFFFFF;
	p2 =	slt.u32 s8, $0xFFFFF086  }
0x1c: {  	p1 =	slt.u32 s9, $0xF7A;
	s5 =	simm.s32 @!p2 $0x0  }
0x1d: {  	s5 =	simm.s32 @p1 $0x1;
	p0 =	seq.s32 s7, s2  }
0x1e: {  	s7 =	smul.u32 @!p0 $0xF7A, s2;
	p2 =	seq.s32 @!p0 s5, $0x0  }
0x1f: {  	s9 =	smul.u32 $0xF7A, s1;
	s8 =	simm.s32 @!p0 $0x1BF5;
	p2 =	por !p2, p0  }
0x20: {  	[sflag:s8] =	ssyncset.s32 @!p0 $0xFFFFF086;
	s6 =	sadd.s32 @!p0 s3, s7;
	s7 =	simm.s32 @!p0 $0x108  }
0x21: {  	s3 =	sadd.s32 s3, s9;
	s6 =	sadd.s32 @!p0 $0x88, s6;
	s7 =	simm.s32 @p2 $0x1082  }
0x22: {  	[simem:s7], [sflag:s8] =	dma.local @!p0 [hbm:s6], $0xF7A  }
0x23: {  	s9 =	sor.u32 $0xD0000000, s2;
	s6 =	simm.s32 $0x108;
	_ =	swait.ge @!p0 [sflag:s8], $0x0  }
0x24: {  	s3 =	sadd.s32 $0x88, s3;
	s6 =	simm.s32 @!p1 $0x1082;
	[sflag:s4] =	ssyncset.s32 $0xFFFFF086  }
0x25: {  	[simem:s6], [sflag:s4] =	dma.local [hbm:s3], $0xF7A  }
0x26: {  	[smem:$0x3F9E] =	sst s1;
	(tag) =	ssettag s2;
	_ =	strace s9  }
0x27: {  	s1 =	sld [smem:$0x3FAE]  }
0x28: {  	s2 =	sld [smem:$0x3FAF]  }
0x29: {  	s4 =	sld [smem:$0x3FB1]  }
0x2a: {  	p0 =	seq.s32 s5, $0x0;
	s5 =	sld [smem:$0x3FB2]  }
0x2b: {  	s6 =	sld [smem:$0x3FB3]  }
0x2c: {  	s7 =	sld [smem:$0x3FB4]  }
0x2d: {  	s3 =	simm.s32 $0x108;
	s8 =	sld [smem:$0x3FB5]  }
0x2e: {  	s3 =	simm.s32 @!p0 $0x1082;
	s9 =	sld [smem:$0x3FB6]  }
0x2f: {  	lr =	sadd.s32 s0, s3;
	s0 =	sld [smem:$0x3FAD]  }
0x30: {  	s3 =	sld [smem:$0x3FB0]  }
0x31: {  	[smem:$0x3FB9] =	sst s10  }
0x32: {  	s10 =	sld [smem:$0x3FB7];
	_ =	sdelay $0x3  }
0x33: {  	p0 =	seq.s32 s10, $0x1;
	s10 =	sld [smem:$0x3FB9];
	_ =	sdelay $0x3  }
0x34: {  	[smem:$0x3FB9] =	sst s10  }
0x35: {  	s10 =	sld [smem:$0x3FB8];
	_ =	sdelay $0x3  }
0x36: {  	p1 =	seq.s32 s10, $0x1;
	s10 =	sld [smem:$0x3FB9];
	_ =	sdelay $0x3  }
0x37: {  	[smem:$0x3FB9] =	sst s10  }
0x38: {  	s10 =	sld [smem:$0x3FBA]  }
0x39: {  	_ = 	snop;
	(pc) =	sbr.ind lr, $3  }
0x3a: {  	_ = 	snop  }
0x3b: {  	_ = 	snop  }
0x3c: {  	p2 =	seq.s32 s10, $0x1;
	s10 =	sld [smem:$0x3FB9]  }
0x3d: {  	_ =	shalt  }
0x3e: {  	_ =	shalt  }
0x3f: {  	_ =	shalt  }
0x40: {  	_ =	shalt  }
0x41: {  	_ =	shalt  }
0x42: {  	_ =	shalt  }
0x43: {  	_ =	shalt  }
0x44: {  	_ =	shalt  }
0x45: {  	_ =	shalt  }
0x46: {  	_ =	shalt  }
0x47: {  	_ =	shalt  }
0x48: {  	_ =	shalt  }
0x49: {  	_ =	shalt  }
0x4a: {  	_ =	shalt  }
0x4b: {  	_ =	shalt  }
0x4c: {  	_ =	shalt  }
0x4d: {  	_ =	shalt  }
0x4e: {  	_ =	shalt  }
0x4f: {  	_ =	shalt  }
0x50: {  	_ =	shalt  }
0x51: {  	_ =	shalt  }
0x52: {  	_ =	shalt  }
0x53: {  	_ =	shalt  }
0x54: {  	_ =	shalt  }
0x55: {  	_ =	shalt  }
0x56: {  	_ =	shalt  }
0x57: {  	_ =	shalt  }
0x58: {  	_ =	shalt  }
0x59: {  	_ =	shalt  }
0x5a: {  	_ =	shalt  }
0x5b: {  	_ =	shalt  }
0x5c: {  	_ =	shalt  }
0x5d: {  	_ =	shalt  }
0x5e: {  	_ =	shalt  }
0x5f: {  	_ =	shalt  }
0x60: {  	_ =	shalt  }
0x61: {  	_ =	shalt  }
0x62: {  	_ =	shalt  }
0x63: {  	_ =	shalt  }
0x64: {  	_ =	shalt  }
0x65: {  	_ =	shalt  }
0x66: {  	_ =	shalt  }
0x67: {  	_ =	shalt  }
0x68: {  	_ =	shalt  }
0x69: {  	_ =	shalt  }
0x6a: {  	_ =	shalt  }
0x6b: {  	_ =	shalt  }
0x6c: {  	_ =	shalt  }
0x6d: {  	_ =	shalt  }
0x6e: {  	_ =	shalt  }
0x6f: {  	_ =	shalt  }
0x70: {  	_ =	shalt  }
0x71: {  	_ =	shalt  }
0x72: {  	_ =	shalt  }
0x73: {  	_ =	shalt  }
0x74: {  	_ =	shalt  }
0x75: {  	_ =	shalt  }
0x76: {  	_ =	shalt  }
0x77: {  	_ =	shalt  }
0x78: {  	_ =	shalt  }
0x79: {  	_ =	shalt  }
0x7a: {  	_ =	shalt  }
0x7b: {  	_ =	shalt  }
0x7c: {  	_ =	shalt  }
0x7d: {  	_ =	shalt  }
0x7e: {  	_ =	shalt  }
0x7f: {  	_ =	shalt  }
0x80: {  	_ =	shalt  }
0x81: {  	_ =	shalt  }
0x82: {  	_ =	shalt  }
0x83: {  	_ =	shalt  }
0x84: {  	_ =	shalt  }
0x85: {  	_ =	shalt  }
0x86: {  	_ =	shalt  }
0x87: {  	_ =	shalt  }
.Lfunc_end0:
.L_simem_size_0:
called_computation_lowered:
.L_overlay_start_0:
0x88: {  	s2 =	sld [smem:$0x3FD9]  }
0x89: {  	s3 =	sld [smem:$0x3FFE];
	_ =	sdelay $0x1  }
0x8a: {  	s1 =	srdreg.scid  }
0x8b: {  	s0 =	sand.u32 $0x1, s1  }
0x8c: {  	s17 =	sshll.u32 s0, $0xA;
	s2 =	sadd.s32 s3, s2  }
0x8d: {  	s2 =	sadd.s32 s2, s17  }
0x8e: {  	[smem:$0x3FC5] =	sst s2  }
0x8f: {  	_ = 	snop  }
0x90: {  	s2 =	sld [smem:$0x3FC9]  }
0x91: {  	s18 =	sld [smem:$0x3FC7]  }
0x92: {  	s4 =	sld [smem:$0x3FD0];
	(tm) =	ssettm $0x1  }
0x93: {  	s5 =	sld [smem:$0x3FFB];
	_ =	sdelay $0x3  }
0x94: {  	_ =	strace s5  }
0x95: {  	s5 =	sld [smem:$0x3FFC];
	_ =	sdelay $0x3  }
0x96: {  	_ =	strace s5  }
0x97: {  	s5 =	sld [smem:$0x3FFD];
	_ =	sdelay $0x3  }
0x98: {  	_ =	strace s5  }
0x99: {  	_ =	strace $0x8FFFFFFF  }
0x9a: {  	s19 =	sld [smem:$0x3FDB];
	_ =	sdelay $0x1  }
0x9b: {  	s6 =	simm.s32 $_scs_section_size  }
0x9c: {  	s7 =	simm.s32 $_size__tile_overlayer_lowered;
	s8 =	simm.s32 $_tile_overlayer_lowered  }
0x9d: {  	s22 =	simm.s32 $0x1BFF;
	s21 =	sshll.u32 s8, $0x1;
	s5 =	sadd.s32 s6, s19  }
0x9e: {  	s9 =	simm.s32 $0x0;
	s20 =	sshll.u32 s7, $0x1;
	s7 =	sadd.s32 s21, s5  }
0x9f: {  	[timem:s9], [sflag:s22] =	dma.local [hbm:s7], s20  }
0xa0: {  	_ =	swait.ge [sflag:s22], s20  }
0xa1: {  	s6 =	ssub.s32 $0x0, s20;
	[sflag:s22] =	ssyncset.done $0x0  }
0xa2: {  	[sflag:s22] =	ssyncadd.s32 s6;
	_ =	sdelay $0x1  }
0xa3: {  	s23 =	simm.s32 $0x1B8B  }
0xa4: {  	_ =	swait.ge [sflag:s23], $0x1  }
0xa5: {  	[sflag:s23] =	ssyncset.done $0x0  }
0xa6: {  	s25 =	simm.s32 $0x1B8E;
	s24 =	sld [smem:$0x3FFE];
	[sflag:s23] =	ssyncadd.s32 $0xFFFFFFFF  }
0xa7: {  	s26 =	simm.s32 $execute0_lowered;
	[smem:$0x3FD2] =	sst s25  }
0xa8: {  	s7 =	sshll.u32 s26, $0x1;
	_ =	strace $0x80000046;
	[dreg:$0x1] =	wrdreg $0xFFFFFFFF  }
0xa9: {  	s28 =	simm.s32 $_size_execute0_lowered;
	s5 =	sadd.s32 s5, s7;
	[dreg:$0x0] =	wrdreg $0x0  }
0xaa: {  	s7 =	sshll.u32 s28, $0x1;
	[dreg:$0x2] =	wrdreg s5  }
0xab: {  	[dreg:$0x3] =	wrdreg s7  }
0xac: {  	[dreg:$0x4] =	wrdreg $0xC0  }
0xad: {  	_ =	task [dreg:s9], $0x5FFFF  }
0xae: {  	[dreg:$0x1] =	wrdreg $0xFFFFFFFF  }
0xaf: {  	[dreg:$0x0] =	wrdreg $0x60  }
0xb0: {  	[dreg:$0x2] =	wrdreg s24  }
0xb1: {  	[dreg:$0x3] =	wrdreg s2  }
0xb2: {  	[dreg:$0x4] =	wrdreg s18  }
0xb3: {  	[dreg:$0x5] =	wrdreg s4  }
0xb4: {  	[dreg:$0x6] =	wrdreg $0x9  }
0xb5: {  	_ =	task.clear_ibuf [dreg:s9], $0x7FFFF;
	_ =	strace $0x90000046  }
0xb6: {  	s29 =	simm.s32 $0x9;
	_ =	strace $0x80000048  }
0xb7: {  	_ =	swait.ge [sflag:s29], $0x1  }
0xb8: {  	[sflag:s29] =	ssyncadd.s32 $0xFFFFFFFF  }
0xb9: {  	_ =	strace $0x90000048  }
0xba: {  	_ =	sfence  }
0xbb: {  	s30 =	sld [smem:$0x0];
	_ =	sdelay $0x2  }
0xbc: {  	s31 =	sshll.u32 s1, $0xD;
	s1 =	sshrl.u32 s1, $0x2  }
0xbd: {  	s3 =	sand.u32 $0x4000, s31;
	s1 =	sadd.s32 s1, s30  }
0xbe: {  	s0 =	sor.u32 s3, s0;
	s1 =	sshll.u32 s1, $0x11  }
0xbf: {  	s0 =	sor.u32 s1, s0  }
0xc0: {  	s0 =	sadd.s32 $0x8F2B, s0  }
0xc1: {  	[sflag:s0] =	ssyncadd.remote.s32 $0x1  }
0xc2: {  	_ =	sfence.sel $0xFFFF  }
0xc3: {  	[dreg:$0x0] =	wrdreg $0xFFFFFFFF;
	(pc) =	sbr.abs _section_cstart, $3  }
0xc4: {  	[dreg:$0x1] =	wrdreg $0xFFFFFFFF  }
0xc5: {  	_ =	task.clear_ibuf [dreg:s9], $0x2FFFF;
	_ =	strace $0x9FFFFFFF  }
0xc6: {  	(tm) =	ssettm $0x7FFFFFFF  }
0xc7: {  	_ =	shalt  }
tec
execute0_lowered:
.L_overlay_start_1:
0x0: {  	(tag) =	ssettag $0x1  }
0x1: {  	s0 =	rddreg [dreg:$0x0]  }
0x2: {  	s2 =	rddreg [dreg:$0x1]  }
0x3: {  	s1 =	rddreg [dreg:$0x2]  }
0x4: {  	s6 =	rddreg [dreg:$0x3];
	s3 =	simm.s32 $0x0  }
0x5: {  	s4 =	srdreg.scid;
	s5 =	stileid.u32;
	s15 =	simm.s32 $0x2  }
0x6: {  	s16 =	simm.s32 $0x80;
	s17 =	simm.s32 $0x100;
	s18 =	simm.s32 $0x180  }
0x7: {  	s23 =	simm.s32 $0x1;
	s28 =	simm.s32 $0x2600;
	s29 =	simm.s32 $0x500  }
0x8: {  	s30 =	simm.s32 $0x4600;
	s31 =	simm.s32 $0x580;
	s4 =	sand.u32 $0x1, s4  }
0x9: {  	[smem:$0x7FF] =	sst s3;
	s5 =	sshll.u32 s5, $0xA;
	s7 =	ssub.s32 $0x2, s4  }
0xa: {  	_ =	strace $0x80000047;
	s8 =	sshll.u32 s4, $0x9;
	s25 =	sshrl.u32 s7, $0x1  }
0xb: {  	s4 =	sadd.s32 $0x600, s0;
	s5 =	sor.u32 s8, s5;
	s0 =	ssub.s32 s7, s25  }
0xc: {  	s26 =	sshrl.u32 s5, $0x3;
	s21 =	sor.u32 $0x80, s5;
	s8 =	sor.u32 $0x100, s5  }
0xd: {  	s10 =	sor.u32 $0x180, s5;
	s13 =	sshll.u32 s5, $0x3;
	s25 =	simm.s32 $0x600  }
0xe: {  	s7 =	sadd.s32 s2, s26;
	s9 =	sshrl.u32 s21, $0x3;
	s11 =	sshrl.u32 s8, $0x3  }
0xf: {  	s12 =	sshrl.u32 s10, $0x3;
	s13 =	sadd.s32 s6, s13;
	s14 =	smax.u32 s0, $0x1  }
0x10: {  	v0 =	vlaneseq.u32;
	s26 =	simm.s32 $0x480;
	s0 =	simm.s32 $0x6600;
	s9 =	sadd.s32 s2, s9  }
0x11: {  	v0 =	vor.u32 $0x2710, v0;
	s11 =	sadd.s32 s2, s11;
	s12 =	sadd.s32 s2, s12;
	s2 =	simm.s32 $0x0  }
.LBB2_1:
0x12: {  	[tilespmem:s3], [sflag:$0x2] =	stream.linear.gather [hbm4b:s7+s3], $0x80, $0x38;
	[tilespmem:$0x8600] =	vst v63  }
0x13: {  	_ =	swait.ge [sflag:s15], $0x80  }
0x14: {  	[sflag:s15] =	ssyncset.done $0x0  }
0x15: {  	[sflag:s15] =	ssyncadd.s32 $0xFFFFFF80  }
0x16: {  	[tilespmem:s16], [sflag:$0x2] =	stream.linear.gather [hbm4b:s9+s3], $0x80, $0x38;
	[tilespmem:$0x8600] =	vst v63  }
0x17: {  	_ =	swait.ge [sflag:s15], $0x80  }
0x18: {  	[sflag:s15] =	ssyncset.done $0x0  }
0x19: {  	[sflag:s15] =	ssyncadd.s32 $0xFFFFFF80  }
0x1a: {  	[tilespmem:s17], [sflag:$0x2] =	stream.linear.gather [hbm4b:s11+s3], $0x80, $0x38;
	[tilespmem:$0x8600] =	vst v63  }
0x1b: {  	_ =	swait.ge [sflag:s15], $0x80  }
0x1c: {  	[sflag:s15] =	ssyncset.done $0x0  }
0x1d: {  	[sflag:s15] =	ssyncadd.s32 $0xFFFFFF80  }
0x1e: {  	[tilespmem:s18], [sflag:$0x2] =	stream.linear.gather [hbm4b:s12+s3], $0x80, $0x38;
	[tilespmem:$0x8600] =	vst v63  }
0x1f: {  	_ =	swait.ge [sflag:s15], $0x80  }
0x20: {  	[sflag:s15] =	ssyncset.done $0x0  }
0x21: {  	s6 =	simm.s32 $0x200;
	[sflag:s15] =	ssyncadd.s32 $0xFFFFFF80  }
0x22: {  	[tilespmem:s6], [sflag:$0x1] =	stream.indirect.gather [hbm4b:s1+s16], $0x1, s3, s16, $0xb8;
	[tilespmem:$0x8600] =	vst v63  }
0x23: {  	s20 =	simm.s32 $0x280  }
0x24: {  	[tilespmem:s20], [sflag:$0x1] =	stream.indirect.gather [hbm4b:s1+s16], $0x1, s16, s16, $0xb8;
	[tilespmem:$0x8600] =	vst v63  }
0x25: {  	s22 =	simm.s32 $0x300  }
0x26: {  	[tilespmem:s22], [sflag:$0x1] =	stream.indirect.gather [hbm4b:s1+s16], $0x1, s17, s16, $0xb8;
	[tilespmem:$0x8600] =	vst v63  }
0x27: {  	s24 =	simm.s32 $0x380  }
0x28: {  	[tilespmem:s24], [sflag:$0x1] =	stream.indirect.gather [hbm4b:s1+s16], $0x1, s18, s16, $0xb8;
	[tilespmem:$0x8600] =	vst v63  }
0x29: {  	_ =	swait.ge [sflag:s23], $0x80  }
0x2a: {  	[sflag:s23] =	ssyncset.done $0x0  }
0x2b: {  	[sflag:s23] =	ssyncadd.s32 $0xFFFFFF80  }
0x2c: {  	_ =	swait.ge [sflag:s23], $0x80  }
0x2d: {  	[sflag:s23] =	ssyncset.done $0x0  }
0x2e: {  	[sflag:s23] =	ssyncadd.s32 $0xFFFFFF80  }
0x2f: {  	_ =	swait.ge [sflag:s23], $0x80  }
0x30: {  	[sflag:s23] =	ssyncset.done $0x0  }
0x31: {  	[sflag:s23] =	ssyncadd.s32 $0xFFFFFF80  }
0x32: {  	_ =	swait.ge [sflag:s23], $0x80  }
0x33: {  	[sflag:s23] =	ssyncset.done $0x0  }
0x34: {  	s19 =	simm.s32 $0x0;
	[sflag:s23] =	ssyncadd.s32 $0xFFFFFF80  }
0x35: {  	v2 =	vld [tilespmem:s19+$0x200]  }
0x36: {  	v1 =	vld [tilespmem:s19+$0x0];
	_ =	sdelay $0x2  }
0x37: {  	s6 =	smov.u32 s5;
	s20 =	simm.s32 $0x40  }
.LBB2_2:
0x38: {  	s22 =	sshra.s32 s20, $0x2;
	p0 =	sne.s32 s20, $0x1C0;
	s20 =	sadd.s32 $0x40, s20;
	vm0 =	vgt.s32 v2, $0x0;
	v3 =	vadd.s32 s6, v0  }
.Ltmp0:
0x39: {  	v2 =	vld [tilespmem:s22+$0x200];
	v3 =	vsel vm0, v1, v3;
	(pc) =	sbr.rel @p0 .LBB2_2-.Ltmp0, $2  }
0x3a: {  	v1 =	vld [tilespmem:s22+$0x0];
	[tilespmem:s19+$0x400] =	vst v3;
	s19 =	smov.u32 s22;
	_ =	sdelay $0x2  }
0x3b: {  	s6 =	sadd.s32 $0x10, s6  }
0x3c: {  	vm0 =	vgt.s32 v2, $0x0;
	v2 =	vadd.s32 s6, v0  }
0x3d: {  	v1 =	vsel vm0, v1, v2  }
0x3e: {  	[tilespmem:s19+$0x400] =	vst v1;
	s19 =	simm.s32 $0x0  }
0x3f: {  	v2 =	vld [tilespmem:s19+$0x280]  }
0x40: {  	v1 =	vld [tilespmem:s19+$0x80];
	_ =	sdelay $0x2  }
0x41: {  	s22 =	simm.s32 $0x40;
	s6 =	smov.u32 s21;
	s20 =	simm.s32 $0x0  }
.LBB2_4:
0x42: {  	s24 =	sshra.s32 s22, $0x2;
	p0 =	sne.s32 s22, $0x1C0;
	s22 =	sadd.s32 $0x40, s22;
	vm0 =	vgt.s32 v2, $0x0;
	v3 =	vadd.s32 s6, v0  }
.Ltmp1:
0x43: {  	v2 =	vld [tilespmem:s24+$0x280];
	v3 =	vsel vm0, v1, v3;
	(pc) =	sbr.rel @p0 .LBB2_4-.Ltmp1, $2  }
0x44: {  	v1 =	vld [tilespmem:s24+$0x80];
	[tilespmem:s20+$0x480] =	vst v3;
	s20 =	smov.u32 s24;
	_ =	sdelay $0x2  }
0x45: {  	s6 =	sadd.s32 $0x10, s6  }
0x46: {  	vm0 =	vgt.s32 v2, $0x0;
	v2 =	vadd.s32 s6, v0  }
0x47: {  	v1 =	vsel vm0, v1, v2  }
0x48: {  	[tilespmem:s20+$0x480] =	vst v1  }
0x49: {  	v2 =	vld [tilespmem:s19+$0x300]  }
0x4a: {  	v1 =	vld [tilespmem:s19+$0x100];
	_ =	sdelay $0x2  }
0x4b: {  	s6 =	smov.u32 s8;
	s20 =	simm.s32 $0x40  }
.LBB2_6:
0x4c: {  	s22 =	sshra.s32 s20, $0x2;
	p0 =	sne.s32 s20, $0x1C0;
	s20 =	sadd.s32 $0x40, s20;
	vm0 =	vgt.s32 v2, $0x0;
	v3 =	vadd.s32 s6, v0  }
.Ltmp2:
0x4d: {  	v2 =	vld [tilespmem:s22+$0x300];
	v3 =	vsel vm0, v1, v3;
	(pc) =	sbr.rel @p0 .LBB2_6-.Ltmp2, $2  }
0x4e: {  	v1 =	vld [tilespmem:s22+$0x100];
	[tilespmem:s19+$0x500] =	vst v3;
	s19 =	smov.u32 s22;
	_ =	sdelay $0x2  }
0x4f: {  	s6 =	sadd.s32 $0x10, s6  }
0x50: {  	vm0 =	vgt.s32 v2, $0x0;
	v2 =	vadd.s32 s6, v0  }
0x51: {  	v1 =	vsel vm0, v1, v2  }
0x52: {  	[tilespmem:s19+$0x500] =	vst v1;
	s19 =	simm.s32 $0x0  }
0x53: {  	v2 =	vld [tilespmem:s19+$0x380]  }
0x54: {  	v1 =	vld [tilespmem:s19+$0x180];
	_ =	sdelay $0x2  }
0x55: {  	s20 =	simm.s32 $0x40;
	s6 =	smov.u32 s10  }
.LBB2_8:
0x56: {  	s22 =	sshra.s32 s20, $0x2;
	p0 =	sne.s32 s20, $0x1C0;
	s20 =	sadd.s32 $0x40, s20;
	vm0 =	vgt.s32 v2, $0x0;
	v3 =	vadd.s32 s6, v0  }
.Ltmp3:
0x57: {  	v2 =	vld [tilespmem:s22+$0x380];
	v3 =	vsel vm0, v1, v3;
	(pc) =	sbr.rel @p0 .LBB2_8-.Ltmp3, $2  }
0x58: {  	v1 =	vld [tilespmem:s22+$0x180];
	[tilespmem:s19+$0x580] =	vst v3;
	s19 =	smov.u32 s22;
	_ =	sdelay $0x2  }
0x59: {  	s6 =	sadd.s32 $0x10, s6  }
0x5a: {  	vm0 =	vgt.s32 v2, $0x0;
	v2 =	vadd.s32 s6, v0  }
0x5b: {  	v1 =	vsel vm0, v1, v2  }
0x5c: {  	s24 =	simm.s32 $0x400;
	[tilespmem:s19+$0x580] =	vst v1  }
0x5d: {  	[tilespmem:s25], [sflag:$0x1] =	stream.indirect.gather [hbm4b:s4+s16], $0x40, s24, s16, $0xb8;
	[tilespmem:$0x8600] =	vst v63  }
0x5e: {  	_ = 	snop  }
0x5f: {  	[tilespmem:s28], [sflag:$0x1] =	stream.indirect.gather [hbm4b:s4+s16], $0x40, s26, s16, $0xb8;
	[tilespmem:$0x8600] =	vst v63  }
0x60: {  	_ = 	snop  }
0x61: {  	[tilespmem:s30], [sflag:$0x1] =	stream.indirect.gather [hbm4b:s4+s16], $0x40, s29, s16, $0xb8;
	[tilespmem:$0x8600] =	vst v63  }
0x62: {  	_ = 	snop  }
0x63: {  	[tilespmem:s0], [sflag:$0x1] =	stream.indirect.gather [hbm4b:s4+s16], $0x40, s31, s16, $0xb8;
	[tilespmem:$0x8600] =	vst v63  }
0x64: {  	_ =	swait.ge [sflag:s23], $0x2000  }
0x65: {  	[sflag:s23] =	ssyncset.done $0x0  }
0x66: {  	[sflag:s23] =	ssyncadd.s32 $0xFFFFE000  }
0x67: {  	_ =	swait.ge [sflag:s23], $0x2000  }
0x68: {  	[sflag:s23] =	ssyncset.done $0x0  }
0x69: {  	[sflag:s23] =	ssyncadd.s32 $0xFFFFE000  }
0x6a: {  	_ =	swait.ge [sflag:s23], $0x2000  }
0x6b: {  	[sflag:s23] =	ssyncset.done $0x0  }
0x6c: {  	[sflag:s23] =	ssyncadd.s32 $0xFFFFE000  }
0x6d: {  	s2 =	sadd.s32 $0x1, s2;
	_ =	swait.ge [sflag:s23], $0x2000  }
0x6e: {  	p0 =	sne.s32 s2, s14;
	[sflag:s23] =	ssyncset.done $0x0  }
.Ltmp4:
0x6f: {  	[sflag:s23] =	ssyncadd.s32 $0xFFFFE000;
	(pc) =	sbr.rel @p0 .LBB2_1-.Ltmp4, $4  }
0x70: {  	[hbm4b:s13+s3] =	stream.linear.scatter [tilespmem:s25], [sflag:$0x2], $0x8000, $0x38;
	[tilespmem:$0x8600] =	vst v63  }
0x71: {  	_ =	swait.ge [sflag:s15], $0x8000  }
0x72: {  	[sflag:s15] =	ssyncset.done $0x0  }
0x73: {  	[sflag:s15] =	ssyncadd.s32 $0xFFFF8000  }
0x74: {  	_ =	sfence.sel $0x180000  }
0x75: {  	[bflag:$0x0] =	sbarrier.arrive $0xFFFF  }
0x76: {  	_ =	strace $0x90000047  }
0x77: {  	s0 =	stileid.u32;
	[bflag:$0x2] =	sbarrier.arrive $0xFFFF  }
0x78: {  	p0 =	sne.s32 s0, $0x0;
	s0 =	rddreg [dreg:$0x4]  }
0x79: {  	s0 =	sadd.s32 @!p0 $0x100000, s0  }
0x7a: {  	[sflag:s0] =	ssyncadd.tile.s32 @!p0 $0x1;
	_ =	shalt  }
.Lfunc_end2:
_tile_overlayer_lowered:
.L_overlay_start_2:
0x7b: {  	(tag) =	ssettag $0x2  }
0x7c: {  	s0 =	rddreg [dreg:$0x0];
	s2 =	stileid.u32  }
0x7d: {  	s1 =	rddreg [dreg:$0x1];
	p0 =	sne.s32 s2, $0x0  }
0x7e: {  	s3 =	rddreg [dreg:$0x2];
	[bflag:$0x3] =	sbarrier.arrive $0xFFFF;
	s2 =	simm.s32 @!p0 $0x1C02  }
0x7f: {  	[timem:s3], [sflag:s2] =	dma.local @!p0 [hbm:s0], s1  }
0x80: {  	s0 =	simm.s32 @!p0 $0x2  }
0x81: {  	_ =	swait.ge @!p0 [sflag:s0], s1  }
0x82: {  	s1 =	ssub.s32 @!p0 $0x0, s1;
	[sflag:s0] =	ssyncset.done @!p0 $0x0  }
0x83: {  	[sflag:s0] =	ssyncadd.s32 @!p0 s1  }
0x84: {  	[bflag:$0x3] =	sbarrier.arrive $0xFFFF  }
0x85: {  	_ =	shalt  }

</sc_bundles>
